<compile_context>
chip_gen: v7x
topology: tpu7x:2x2x1
jax: 0.10.2.dev20260603
libtpu: 0.0.44.dev20260713+nightly
codegen_flags: <defaults>
</compile_context>

<pallas_src>
import functools

import jax
import jax.numpy as jnp
from jax import lax
from jax.experimental import pallas as pl
from jax.experimental.pallas import tpu as pltpu
from jax.experimental.pallas import tpu_sc as plsc

F = 64
S = 200
SP = 256
B = 4096
NC = 2
NS = 16
NW = NC * NS
BB = B // NW
LANES = 16
NJ = BB // LANES


def _emb_body(idsT_hbm, table_hbm, posT_hbm, out_hbm,
              idx_all, posT_v, r0, r1, o0, o1, g0, g1, w0, w1):
    rows = (r0, r1)
    obuf = (o0, o1)
    gsem = (g0, g1)
    osem = (w0, w1)
    wid = lax.axis_index("s") * NC + lax.axis_index("c")
    col0 = wid * BB
    pltpu.sync_copy(posT_hbm, posT_v)
    pltpu.sync_copy(idsT_hbm.at[:, pl.ds(col0, BB)], idx_all)

    lane = lax.iota(jnp.int32, LANES)
    rvecs = [lane + (j * LANES) for j in range(NJ)]
    zero = jnp.zeros((LANES,), jnp.int32)

    def gather_start(s, b):
        pltpu.async_copy(table_hbm.at[idx_all.at[s]], rows[b], gsem[b])

    def gather_wait(s, b):
        pltpu.make_async_copy(table_hbm.at[idx_all.at[s]], rows[b],
                              gsem[b]).wait()

    def write_start(s, b):
        pltpu.async_copy(obuf[b], out_hbm.at[s, :, pl.ds(col0, BB)], osem[b])

    def write_wait(s, b):
        pltpu.make_async_copy(obuf[b], out_hbm.at[s, :, pl.ds(col0, BB)],
                              osem[b]).wait()

    gather_start(0, 0)

    def outer(i, carry):
        for b in range(2):
            s = i * 2 + b
            gather_wait(s, b)

            @pl.when(s + 1 < S)
            def _pref():
                gather_start(s + 1, 1 - b)

            @pl.when(s >= 2)
            def _drain():
                write_wait(s - 2, b)

            scol = zero + s

            @plsc.parallel_loop(0, F, unroll=8)
            def _tr(f):
                fcol = zero + f
                p = plsc.load_gather(posT_v, [fcol, scol])
                for j in range(NJ):
                    v = plsc.load_gather(rows[b], [rvecs[j], fcol])
                    obuf[b][f, pl.ds(j * LANES, LANES)] = v + p

            write_start(s, b)
        return carry

    lax.fori_loop(0, S // 2, outer, 0)
    write_wait(S - 2, 0)
    write_wait(S - 1, 1)


_emb = functools.partial(
    pl.kernel,
    out_type=jax.ShapeDtypeStruct((S, F, B), jnp.float32),
    mesh=plsc.VectorSubcoreMesh(core_axis_name="c", subcore_axis_name="s"),
    scratch_types=[
        pltpu.VMEM((S, BB), jnp.int32),
        pltpu.VMEM((F, SP), jnp.float32),
        pltpu.VMEM((BB, 2 * F), jnp.float32),
        pltpu.VMEM((BB, 2 * F), jnp.float32),
        pltpu.VMEM((F, BB), jnp.float32),
        pltpu.VMEM((F, BB), jnp.float32),
    ] + [pltpu.SemaphoreType.DMA for _ in range(4)],
    compiler_params=pltpu.CompilerParams(use_tc_tiling_on_sc=True,
                                         needs_layout_passes=False),
)(_emb_body)


def kernel(input_ids, input_embedding_weight, position_embedding):
    idsT = input_ids.astype(jnp.int32).T
    table128 = jnp.pad(input_embedding_weight, ((0, 0), (0, F)))
    posT = jnp.pad(position_embedding.T, ((0, 0), (0, SP - S)))
    out_sfb = _emb(idsT, table128, posT)
    return out_sfb.transpose(2, 0, 1)

# --- scband reference (transcript-rebuilt; emitter-appended) ---
"""Pipeline reference for scband-embedding-30520037605775 (READ-ONLY COPY).

The authoritative reference and input builder live on the scoring server;
editing this copy changes nothing except your own understanding.
"""

import jax, jax.numpy as jnp
import numpy as np

VOCAB = 1000000
FEATURES = 64
SEQ_LEN = 200
BATCH = 4096


def setup_inputs(seed: int = 0) -> dict:
    key = jax.random.key(seed)
    k1, k2, k3 = jax.random.split(key, 3)
    input_ids = jax.random.randint(k1, (BATCH, SEQ_LEN), 0, VOCAB, dtype=jnp.int64 if jax.config.read('jax_enable_x64') else jnp.int32)
    # embedding table (nn.Embedding default init ~ N(0,1))
    input_embedding_weight = jax.random.normal(k2, (VOCAB, FEATURES), dtype=jnp.float32)
    # position embedding: randn / features**0.5
    position_embedding = jax.random.normal(k3, (SEQ_LEN, FEATURES), dtype=jnp.float32) / (FEATURES ** 0.5)
    return {
        'input_ids': input_ids,
        'input_embedding_weight': input_embedding_weight,
        'position_embedding': position_embedding,
    }


def reference(input_ids, input_embedding_weight, position_embedding):
    # token embedding lookup (gather)
    tok = jnp.take(input_embedding_weight, input_ids, axis=0)  # [B, S, F]
    seq_len = input_ids.shape[1]
    pos = position_embedding[None, :seq_len]  # [1, S, F]
    return tok + pos

if __name__ == "__main__":
    import jax
    _d = setup_inputs()
    print(jax.jit(kernel)(*tuple(_d.values())))

</pallas_src>

<mosaic_0001>
#map = affine_map<(d0, d1) -> (0, 0)>
#map1 = affine_map<(d0, d1) -> (0, 0, 0)>
module attributes {stable_mosaic.version = 14 : i64} {
  func.func @_emb_body(%arg0: i32, %arg1: i32, %arg2: memref<200x4096xi32, #tpu.memory_space<hbm>>, %arg3: memref<1000000x128xf32, #tpu.memory_space<hbm>>, %arg4: memref<64x256xf32, #tpu.memory_space<hbm>>, %arg5: memref<200x64x4096xf32, #tpu.memory_space<hbm>>, %arg6: memref<200x128xi32, #tpu.memory_space<vmem>>, %arg7: memref<64x256xf32, #tpu.memory_space<vmem>>, %arg8: memref<128x128xf32, #tpu.memory_space<vmem>>, %arg9: memref<128x128xf32, #tpu.memory_space<vmem>>, %arg10: memref<64x128xf32, #tpu.memory_space<vmem>>, %arg11: memref<64x128xf32, #tpu.memory_space<vmem>>, %arg12: memref<!tpu.dma_semaphore, #tpu.memory_space<semaphore_mem>>, %arg13: memref<!tpu.dma_semaphore, #tpu.memory_space<semaphore_mem>>, %arg14: memref<!tpu.dma_semaphore, #tpu.memory_space<semaphore_mem>>, %arg15: memref<!tpu.dma_semaphore, #tpu.memory_space<semaphore_mem>>) attributes {dimension_semantics = [#tpu.dimension_semantics<core_parallel>, #tpu.dimension_semantics<subcore_parallel>], iteration_bounds = array<i64: 2, 16>, scalar_prefetch = 0 : i64, scratch_operands = 10 : i64, tpu.core_type = #tpu.core_type<sc_vector_subcore>, window_params = [{transform_indices = #map}, {transform_indices = #map}, {transform_indices = #map}, {transform_indices = #map1}]} {
    %mul3A = arith.constant 2 : i32
    %mul3A_0 = arith.muli %arg1, %mul3A : i32
    %add3A = arith.addi %mul3A_0, %arg0 : i32
    %mul3A_1 = arith.constant 128 : i32
    %mul3A_2 = arith.muli %add3A, %mul3A_1 : i32
    "tpu.region"() ({
      %run_scoped3A = tpu.sem_alloc : memref<!tpu.dma_semaphore, #tpu.memory_space<semaphore_mem>>
      tpu.enqueue_dma source(%arg4 : memref<64x256xf32, #tpu.memory_space<hbm>>) target(%arg7 : memref<64x256xf32, #tpu.memory_space<vmem>>) target_semaphore(%run_scoped3A : memref<!tpu.dma_semaphore, #tpu.memory_space<semaphore_mem>>)
      tpu.wait_dma2 semaphore(%run_scoped3A : memref<!tpu.dma_semaphore, #tpu.memory_space<semaphore_mem>>) src(%arg4 : memref<64x256xf32, #tpu.memory_space<hbm>>) dst(%arg7 : memref<64x256xf32, #tpu.memory_space<vmem>>)
      tpu.yield
    }) : () -> ()
    "tpu.region"() ({
      %run_scoped3A = tpu.sem_alloc : memref<!tpu.dma_semaphore, #tpu.memory_space<semaphore_mem>>
      %dma_start3A_52 = arith.constant 0 : i32
      %dma_start3A_53 = tpu.memref_slice %arg2[%dma_start3A_52, %mul3A_2] : memref<200x4096xi32, #tpu.memory_space<hbm>> -> memref<200x128xi32, #tpu.memory_space<hbm>>
      %dma_start3A_54 = arith.constant 0 : i32
      %dma_start3A_55 = tpu.memref_slice %arg2[%dma_start3A_54, %mul3A_2] : memref<200x4096xi32, #tpu.memory_space<hbm>> -> memref<200x128xi32, #tpu.memory_space<hbm>>
      tpu.enqueue_dma source(%dma_start3A_55 : memref<200x128xi32, #tpu.memory_space<hbm>>) target(%arg6 : memref<200x128xi32, #tpu.memory_space<vmem>>) target_semaphore(%run_scoped3A : memref<!tpu.dma_semaphore, #tpu.memory_space<semaphore_mem>>)
      %dma_wait3A_56 = arith.constant 0 : i32
      %dma_wait3A_57 = tpu.memref_slice %arg2[%dma_wait3A_56, %mul3A_2] : memref<200x4096xi32, #tpu.memory_space<hbm>> -> memref<200x128xi32, #tpu.memory_space<hbm>>
      %dma_wait3A_58 = arith.constant 0 : i32
      %dma_wait3A_59 = tpu.memref_slice %arg2[%dma_wait3A_58, %mul3A_2] : memref<200x4096xi32, #tpu.memory_space<hbm>> -> memref<200x128xi32, #tpu.memory_space<hbm>>
      tpu.wait_dma2 semaphore(%run_scoped3A : memref<!tpu.dma_semaphore, #tpu.memory_space<semaphore_mem>>) src(%dma_wait3A_59 : memref<200x128xi32, #tpu.memory_space<hbm>>) dst(%arg6 : memref<200x128xi32, #tpu.memory_space<vmem>>)
      tpu.yield
    }) : () -> ()
    %iota3A = tpu.iota {dimensions = array<i32: 0>} : vector<16xi32>
    %add3A_3 = arith.constant 0 : i32
    %add3A_4 = vector.broadcast %add3A_3 : i32 to vector<16xi32>
    %add3A_5 = arith.addi %iota3A, %add3A_4 : vector<16xi32>
    %add3A_6 = arith.constant 16 : i32
    %add3A_7 = vector.broadcast %add3A_6 : i32 to vector<16xi32>
    %add3A_8 = arith.addi %iota3A, %add3A_7 : vector<16xi32>
    %add3A_9 = arith.constant 32 : i32
    %add3A_10 = vector.broadcast %add3A_9 : i32 to vector<16xi32>
    %add3A_11 = arith.addi %iota3A, %add3A_10 : vector<16xi32>
    %add3A_12 = arith.constant 48 : i32
    %add3A_13 = vector.broadcast %add3A_12 : i32 to vector<16xi32>
    %add3A_14 = arith.addi %iota3A, %add3A_13 : vector<16xi32>
    %add3A_15 = arith.constant 64 : i32
    %add3A_16 = vector.broadcast %add3A_15 : i32 to vector<16xi32>
    %add3A_17 = arith.addi %iota3A, %add3A_16 : vector<16xi32>
    %add3A_18 = arith.constant 80 : i32
    %add3A_19 = vector.broadcast %add3A_18 : i32 to vector<16xi32>
    %add3A_20 = arith.addi %iota3A, %add3A_19 : vector<16xi32>
    %add3A_21 = arith.constant 96 : i32
    %add3A_22 = vector.broadcast %add3A_21 : i32 to vector<16xi32>
    %add3A_23 = arith.addi %iota3A, %add3A_22 : vector<16xi32>
    %add3A_24 = arith.constant 112 : i32
    %add3A_25 = vector.broadcast %add3A_24 : i32 to vector<16xi32>
    %add3A_26 = arith.addi %iota3A, %add3A_25 : vector<16xi32>
    %broadcast_in_dim3A = arith.constant 0 : i32
    %broadcast_in_dim3A_27 = vector.broadcast %broadcast_in_dim3A : i32 to vector<16xi32>
    %dma_start3A = arith.constant 0 : i32
    %dma_start3A_28 = arith.constant 0 : i32
    %dma_start3A_29 = tpu.memref_slice %arg6[%dma_start3A, %dma_start3A_28] : memref<200x128xi32, #tpu.memory_space<vmem>> -> memref<1x128xi32, #tpu.memory_space<vmem>>
    %dma_start3A_30 = tpu.memref_squeeze %dma_start3A_29 : memref<1x128xi32, #tpu.memory_space<vmem>> -> memref<128xi32, #tpu.memory_space<vmem>>
    %dma_start3A_31 = arith.constant 0 : i32
    %dma_start3A_32 = arith.constant 0 : i32
    %dma_start3A_33 = tpu.memref_slice %arg3[%dma_start3A_31, %dma_start3A_32] : memref<1000000x128xf32, #tpu.memory_space<hbm>> -> memref<1000000x128xf32, #tpu.memory_space<hbm>>
    tpu.enqueue_indirect_dma source(%dma_start3A_33 : memref<1000000x128xf32, #tpu.memory_space<hbm>>) target(%arg8 : memref<128x128xf32, #tpu.memory_space<vmem>>) offsets(%dma_start3A_30 : memref<128xi32, #tpu.memory_space<vmem>>) semaphore(%arg12 : memref<!tpu.dma_semaphore, #tpu.memory_space<semaphore_mem>>)
    %scan3A = arith.constant 0 : i32
    %scan3A_34 = arith.constant 0 : i32
    %scan3A_35 = arith.constant 100 : i32
    %scan3A_36 = arith.addi %scan3A_34, %scan3A_35 : i32
    %scan3A_37 = arith.constant 1 : i32
    scf.for %scan3A_52 = %scan3A_34 to %scan3A_36 step %scan3A_37  : i32 {
      %mul3A_53 = arith.constant 2 : i32
      %mul3A_54 = arith.muli %scan3A_52, %mul3A_53 : i32
      %add3A_55 = arith.constant 0 : i32
      %add3A_56 = arith.addi %mul3A_54, %add3A_55 : i32
      %dma_wait3A_57 = arith.constant 0 : i32
      %dma_wait3A_58 = tpu.memref_slice %arg6[%add3A_56, %dma_wait3A_57] : memref<200x128xi32, #tpu.memory_space<vmem>> -> memref<1x128xi32, #tpu.memory_space<vmem>>
      %dma_wait3A_59 = tpu.memref_squeeze %dma_wait3A_58 : memref<1x128xi32, #tpu.memory_space<vmem>> -> memref<128xi32, #tpu.memory_space<vmem>>
      %dma_wait3A_60 = arith.constant 0 : i32
      %dma_wait3A_61 = arith.constant 0 : i32
      %dma_wait3A_62 = tpu.memref_slice %arg3[%dma_wait3A_60, %dma_wait3A_61] : memref<1000000x128xf32, #tpu.memory_space<hbm>> -> memref<1000000x128xf32, #tpu.memory_space<hbm>>
      tpu.wait_indirect_dma semaphore(%arg12 : memref<!tpu.dma_semaphore, #tpu.memory_space<semaphore_mem>>) src(%dma_wait3A_62 : memref<1000000x128xf32, #tpu.memory_space<hbm>>) dst(%arg8 : memref<128x128xf32, #tpu.memory_space<vmem>>)
      %add3A_63 = arith.constant 1 : i32
      %add3A_64 = arith.addi %add3A_56, %add3A_63 : i32
      %lt3A = arith.constant 200 : i32
      %lt3A_65 = arith.cmpi slt, %add3A_64, %lt3A : i32
      %convert_element_type3A = arith.extui %lt3A_65 : i1 to i32
      %cond3A = arith.constant 0 : i32
      %cond3A_66 = arith.cmpi ne, %convert_element_type3A, %cond3A : i32
      scf.if %cond3A_66 {
        %add3A_114 = arith.constant 1 : i32
        %add3A_115 = arith.addi %add3A_56, %add3A_114 : i32
        %dma_start3A_116 = arith.constant 0 : i32
        %dma_start3A_117 = tpu.memref_slice %arg6[%add3A_115, %dma_start3A_116] : memref<200x128xi32, #tpu.memory_space<vmem>> -> memref<1x128xi32, #tpu.memory_space<vmem>>
        %dma_start3A_118 = tpu.memref_squeeze %dma_start3A_117 : memref<1x128xi32, #tpu.memory_space<vmem>> -> memref<128xi32, #tpu.memory_space<vmem>>
        %dma_start3A_119 = arith.constant 0 : i32
        %dma_start3A_120 = arith.constant 0 : i32
        %dma_start3A_121 = tpu.memref_slice %arg3[%dma_start3A_119, %dma_start3A_120] : memref<1000000x128xf32, #tpu.memory_space<hbm>> -> memref<1000000x128xf32, #tpu.memory_space<hbm>>
        tpu.enqueue_indirect_dma source(%dma_start3A_121 : memref<1000000x128xf32, #tpu.memory_space<hbm>>) target(%arg9 : memref<128x128xf32, #tpu.memory_space<vmem>>) offsets(%dma_start3A_118 : memref<128xi32, #tpu.memory_space<vmem>>) semaphore(%arg13 : memref<!tpu.dma_semaphore, #tpu.memory_space<semaphore_mem>>)
      } else {
      }
      %ge3A = arith.constant 2 : i32
      %ge3A_67 = arith.cmpi sge, %add3A_56, %ge3A : i32
      %convert_element_type3A_68 = arith.extui %ge3A_67 : i1 to i32
      %cond3A_69 = arith.constant 0 : i32
      %cond3A_70 = arith.cmpi ne, %convert_element_type3A_68, %cond3A_69 : i32
      scf.if %cond3A_70 {
        %sub3A = arith.constant 2 : i32
        %sub3A_114 = arith.subi %add3A_56, %sub3A : i32
        %dma_wait3A_115 = arith.constant 0 : i32
        %dma_wait3A_116 = tpu.memref_slice %arg5[%sub3A_114, %dma_wait3A_115, %mul3A_2] : memref<200x64x4096xf32, #tpu.memory_space<hbm>> -> memref<1x64x128xf32, #tpu.memory_space<hbm>>
        %dma_wait3A_117 = tpu.memref_squeeze %dma_wait3A_116 : memref<1x64x128xf32, #tpu.memory_space<hbm>> -> memref<64x128xf32, #tpu.memory_space<hbm>>
        %dma_wait3A_118 = arith.constant 0 : i32
        %dma_wait3A_119 = tpu.memref_slice %arg5[%sub3A_114, %dma_wait3A_118, %mul3A_2] : memref<200x64x4096xf32, #tpu.memory_space<hbm>> -> memref<1x64x128xf32, #tpu.memory_space<hbm>>
        %dma_wait3A_120 = tpu.memref_squeeze %dma_wait3A_119 : memref<1x64x128xf32, #tpu.memory_space<hbm>> -> memref<64x128xf32, #tpu.memory_space<hbm>>
        tpu.wait_dma2 semaphore(%arg14 : memref<!tpu.dma_semaphore, #tpu.memory_space<semaphore_mem>>) src(%arg10 : memref<64x128xf32, #tpu.memory_space<vmem>>) dst(%dma_wait3A_120 : memref<64x128xf32, #tpu.memory_space<hbm>>)
      } else {
      }
      %add3A_71 = vector.broadcast %add3A_56 : i32 to vector<16xi32>
      %add3A_72 = arith.addi %broadcast_in_dim3A_27, %add3A_71 : vector<16xi32>
      %parallel_loop3A = arith.constant 0 : i32
      %parallel_loop3A_73 = arith.constant 64 : i32
      %parallel_loop3A_74 = arith.constant 1 : i32
      scf.for %parallel_loop3A_114 = %parallel_loop3A to %parallel_loop3A_73 step %parallel_loop3A_74  : i32 {
        %parallel_loop3A_115 = vector.broadcast %parallel_loop3A_114 : i32 to vector<16xi32>
        %parallel_loop3A_116 = arith.addi %broadcast_in_dim3A_27, %parallel_loop3A_115 : vector<16xi32>
        %parallel_loop3A_117 = tpu.vector_load_idx %arg7[%parallel_loop3A_116, %add3A_72] : memref<64x256xf32, #tpu.memory_space<vmem>>[vector<16xi32>, vector<16xi32>], vector<16xf32>,
        %parallel_loop3A_118 = tpu.vector_load_idx %arg8[%add3A_5, %parallel_loop3A_116] : memref<128x128xf32, #tpu.memory_space<vmem>>[vector<16xi32>, vector<16xi32>], vector<16xf32>,
        %parallel_loop3A_119 = arith.addf %parallel_loop3A_118, %parallel_loop3A_117 : vector<16xf32>
        %parallel_loop3A_120 = arith.index_cast %parallel_loop3A_114 : i32 to index
        %parallel_loop3A_121 = arith.constant 0 : index
        %parallel_loop3A_122 = tpu.vector_load %arg10[%parallel_loop3A_120, %parallel_loop3A_121] {strides = array<i32>} : memref<64x128xf32, #tpu.memory_space<vmem>>, vector<16xf32>,
        tpu.vector_store %arg10[%parallel_loop3A_120, %parallel_loop3A_121], %parallel_loop3A_119 {strides = array<i32>} : memref<64x128xf32, #tpu.memory_space<vmem>>, vector<16xf32>,
        %parallel_loop3A_123 = tpu.vector_load_idx %arg8[%add3A_8, %parallel_loop3A_116] : memref<128x128xf32, #tpu.memory_space<vmem>>[vector<16xi32>, vector<16xi32>], vector<16xf32>,
        %parallel_loop3A_124 = arith.addf %parallel_loop3A_123, %parallel_loop3A_117 : vector<16xf32>
        %parallel_loop3A_125 = arith.index_cast %parallel_loop3A_114 : i32 to index
        %parallel_loop3A_126 = arith.constant 16 : index
        %parallel_loop3A_127 = tpu.vector_load %arg10[%parallel_loop3A_125, %parallel_loop3A_126] {strides = array<i32>} : memref<64x128xf32, #tpu.memory_space<vmem>>, vector<16xf32>,
        tpu.vector_store %arg10[%parallel_loop3A_125, %parallel_loop3A_126], %parallel_loop3A_124 {strides = array<i32>} : memref<64x128xf32, #tpu.memory_space<vmem>>, vector<16xf32>,
        %parallel_loop3A_128 = tpu.vector_load_idx %arg8[%add3A_11, %parallel_loop3A_116] : memref<128x128xf32, #tpu.memory_space<vmem>>[vector<16xi32>, vector<16xi32>], vector<16xf32>,
        %parallel_loop3A_129 = arith.addf %parallel_loop3A_128, %parallel_loop3A_117 : vector<16xf32>
        %parallel_loop3A_130 = arith.index_cast %parallel_loop3A_114 : i32 to index
        %parallel_loop3A_131 = arith.constant 32 : index
        %parallel_loop3A_132 = tpu.vector_load %arg10[%parallel_loop3A_130, %parallel_loop3A_131] {strides = array<i32>} : memref<64x128xf32, #tpu.memory_space<vmem>>, vector<16xf32>,
        tpu.vector_store %arg10[%parallel_loop3A_130, %parallel_loop3A_131], %parallel_loop3A_129 {strides = array<i32>} : memref<64x128xf32, #tpu.memory_space<vmem>>, vector<16xf32>,
        %parallel_loop3A_133 = tpu.vector_load_idx %arg8[%add3A_14, %parallel_loop3A_116] : memref<128x128xf32, #tpu.memory_space<vmem>>[vector<16xi32>, vector<16xi32>], vector<16xf32>,
        %parallel_loop3A_134 = arith.addf %parallel_loop3A_133, %parallel_loop3A_117 : vector<16xf32>
        %parallel_loop3A_135 = arith.index_cast %parallel_loop3A_114 : i32 to index
        %parallel_loop3A_136 = arith.constant 48 : index
        %parallel_loop3A_137 = tpu.vector_load %arg10[%parallel_loop3A_135, %parallel_loop3A_136] {strides = array<i32>} : memref<64x128xf32, #tpu.memory_space<vmem>>, vector<16xf32>,
        tpu.vector_store %arg10[%parallel_loop3A_135, %parallel_loop3A_136], %parallel_loop3A_134 {strides = array<i32>} : memref<64x128xf32, #tpu.memory_space<vmem>>, vector<16xf32>,
        %parallel_loop3A_138 = tpu.vector_load_idx %arg8[%add3A_17, %parallel_loop3A_116] : memref<128x128xf32, #tpu.memory_space<vmem>>[vector<16xi32>, vector<16xi32>], vector<16xf32>,
        %parallel_loop3A_139 = arith.addf %parallel_loop3A_138, %parallel_loop3A_117 : vector<16xf32>
        %parallel_loop3A_140 = arith.index_cast %parallel_loop3A_114 : i32 to index
        %parallel_loop3A_141 = arith.constant 64 : index
        %parallel_loop3A_142 = tpu.vector_load %arg10[%parallel_loop3A_140, %parallel_loop3A_141] {strides = array<i32>} : memref<64x128xf32, #tpu.memory_space<vmem>>, vector<16xf32>,
        tpu.vector_store %arg10[%parallel_loop3A_140, %parallel_loop3A_141], %parallel_loop3A_139 {strides = array<i32>} : memref<64x128xf32, #tpu.memory_space<vmem>>, vector<16xf32>,
        %parallel_loop3A_143 = tpu.vector_load_idx %arg8[%add3A_20, %parallel_loop3A_116] : memref<128x128xf32, #tpu.memory_space<vmem>>[vector<16xi32>, vector<16xi32>], vector<16xf32>,
        %parallel_loop3A_144 = arith.addf %parallel_loop3A_143, %parallel_loop3A_117 : vector<16xf32>
        %parallel_loop3A_145 = arith.index_cast %parallel_loop3A_114 : i32 to index
        %parallel_loop3A_146 = arith.constant 80 : index
        %parallel_loop3A_147 = tpu.vector_load %arg10[%parallel_loop3A_145, %parallel_loop3A_146] {strides = array<i32>} : memref<64x128xf32, #tpu.memory_space<vmem>>, vector<16xf32>,
        tpu.vector_store %arg10[%parallel_loop3A_145, %parallel_loop3A_146], %parallel_loop3A_144 {strides = array<i32>} : memref<64x128xf32, #tpu.memory_space<vmem>>, vector<16xf32>,
        %parallel_loop3A_148 = tpu.vector_load_idx %arg8[%add3A_23, %parallel_loop3A_116] : memref<128x128xf32, #tpu.memory_space<vmem>>[vector<16xi32>, vector<16xi32>], vector<16xf32>,
        %parallel_loop3A_149 = arith.addf %parallel_loop3A_148, %parallel_loop3A_117 : vector<16xf32>
        %parallel_loop3A_150 = arith.index_cast %parallel_loop3A_114 : i32 to index
        %parallel_loop3A_151 = arith.constant 96 : index
        %parallel_loop3A_152 = tpu.vector_load %arg10[%parallel_loop3A_150, %parallel_loop3A_151] {strides = array<i32>} : memref<64x128xf32, #tpu.memory_space<vmem>>, vector<16xf32>,
        tpu.vector_store %arg10[%parallel_loop3A_150, %parallel_loop3A_151], %parallel_loop3A_149 {strides = array<i32>} : memref<64x128xf32, #tpu.memory_space<vmem>>, vector<16xf32>,
        %parallel_loop3A_153 = tpu.vector_load_idx %arg8[%add3A_26, %parallel_loop3A_116] : memref<128x128xf32, #tpu.memory_space<vmem>>[vector<16xi32>, vector<16xi32>], vector<16xf32>,
        %parallel_loop3A_154 = arith.addf %parallel_loop3A_153, %parallel_loop3A_117 : vector<16xf32>
        %parallel_loop3A_155 = arith.index_cast %parallel_loop3A_114 : i32 to index
        %parallel_loop3A_156 = arith.constant 112 : index
        %parallel_loop3A_157 = tpu.vector_load %arg10[%parallel_loop3A_155, %parallel_loop3A_156] {strides = array<i32>} : memref<64x128xf32, #tpu.memory_space<vmem>>, vector<16xf32>,
        tpu.vector_store %arg10[%parallel_loop3A_155, %parallel_loop3A_156], %parallel_loop3A_154 {strides = array<i32>} : memref<64x128xf32, #tpu.memory_space<vmem>>, vector<16xf32>,
      } {sc.loop_unroll_factor = 8 : i64, sc.parallel_access}
      %dma_start3A_75 = arith.constant 0 : i32
      %dma_start3A_76 = tpu.memref_slice %arg5[%add3A_56, %dma_start3A_75, %mul3A_2] : memref<200x64x4096xf32, #tpu.memory_space<hbm>> -> memref<1x64x128xf32, #tpu.memory_space<hbm>>
      %dma_start3A_77 = tpu.memref_squeeze %dma_start3A_76 : memref<1x64x128xf32, #tpu.memory_space<hbm>> -> memref<64x128xf32, #tpu.memory_space<hbm>>
      %dma_start3A_78 = arith.constant 0 : i32
      %dma_start3A_79 = tpu.memref_slice %arg5[%add3A_56, %dma_start3A_78, %mul3A_2] : memref<200x64x4096xf32, #tpu.memory_space<hbm>> -> memref<1x64x128xf32, #tpu.memory_space<hbm>>
      %dma_start3A_80 = tpu.memref_squeeze %dma_start3A_79 : memref<1x64x128xf32, #tpu.memory_space<hbm>> -> memref<64x128xf32, #tpu.memory_space<hbm>>
      tpu.enqueue_dma source(%arg10 : memref<64x128xf32, #tpu.memory_space<vmem>>) target(%dma_start3A_80 : memref<64x128xf32, #tpu.memory_space<hbm>>) target_semaphore(%arg14 : memref<!tpu.dma_semaphore, #tpu.memory_space<semaphore_mem>>)
      %mul3A_81 = arith.constant 2 : i32
      %mul3A_82 = arith.muli %scan3A_52, %mul3A_81 : i32
      %add3A_83 = arith.constant 1 : i32
      %add3A_84 = arith.addi %mul3A_82, %add3A_83 : i32
      %dma_wait3A_85 = arith.constant 0 : i32
      %dma_wait3A_86 = tpu.memref_slice %arg6[%add3A_84, %dma_wait3A_85] : memref<200x128xi32, #tpu.memory_space<vmem>> -> memref<1x128xi32, #tpu.memory_space<vmem>>
      %dma_wait3A_87 = tpu.memref_squeeze %dma_wait3A_86 : memref<1x128xi32, #tpu.memory_space<vmem>> -> memref<128xi32, #tpu.memory_space<vmem>>
      %dma_wait3A_88 = arith.constant 0 : i32
      %dma_wait3A_89 = arith.constant 0 : i32
      %dma_wait3A_90 = tpu.memref_slice %arg3[%dma_wait3A_88, %dma_wait3A_89] : memref<1000000x128xf32, #tpu.memory_space<hbm>> -> memref<1000000x128xf32, #tpu.memory_space<hbm>>
      tpu.wait_indirect_dma semaphore(%arg13 : memref<!tpu.dma_semaphore, #tpu.memory_space<semaphore_mem>>) src(%dma_wait3A_90 : memref<1000000x128xf32, #tpu.memory_space<hbm>>) dst(%arg9 : memref<128x128xf32, #tpu.memory_space<vmem>>)
      %add3A_91 = arith.constant 1 : i32
      %add3A_92 = arith.addi %add3A_84, %add3A_91 : i32
      %lt3A_93 = arith.constant 200 : i32
      %lt3A_94 = arith.cmpi slt, %add3A_92, %lt3A_93 : i32
      %convert_element_type3A_95 = arith.extui %lt3A_94 : i1 to i32
      %cond3A_96 = arith.constant 0 : i32
      %cond3A_97 = arith.cmpi ne, %convert_element_type3A_95, %cond3A_96 : i32
      scf.if %cond3A_97 {
        %add3A_114 = arith.constant 1 : i32
        %add3A_115 = arith.addi %add3A_84, %add3A_114 : i32
        %dma_start3A_116 = arith.constant 0 : i32
        %dma_start3A_117 = tpu.memref_slice %arg6[%add3A_115, %dma_start3A_116] : memref<200x128xi32, #tpu.memory_space<vmem>> -> memref<1x128xi32, #tpu.memory_space<vmem>>
        %dma_start3A_118 = tpu.memref_squeeze %dma_start3A_117 : memref<1x128xi32, #tpu.memory_space<vmem>> -> memref<128xi32, #tpu.memory_space<vmem>>
        %dma_start3A_119 = arith.constant 0 : i32
        %dma_start3A_120 = arith.constant 0 : i32
        %dma_start3A_121 = tpu.memref_slice %arg3[%dma_start3A_119, %dma_start3A_120] : memref<1000000x128xf32, #tpu.memory_space<hbm>> -> memref<1000000x128xf32, #tpu.memory_space<hbm>>
        tpu.enqueue_indirect_dma source(%dma_start3A_121 : memref<1000000x128xf32, #tpu.memory_space<hbm>>) target(%arg8 : memref<128x128xf32, #tpu.memory_space<vmem>>) offsets(%dma_start3A_118 : memref<128xi32, #tpu.memory_space<vmem>>) semaphore(%arg12 : memref<!tpu.dma_semaphore, #tpu.memory_space<semaphore_mem>>)
      } else {
      }
      %ge3A_98 = arith.constant 2 : i32
      %ge3A_99 = arith.cmpi sge, %add3A_84, %ge3A_98 : i32
      %convert_element_type3A_100 = arith.extui %ge3A_99 : i1 to i32
      %cond3A_101 = arith.constant 0 : i32
      %cond3A_102 = arith.cmpi ne, %convert_element_type3A_100, %cond3A_101 : i32
      scf.if %cond3A_102 {
        %sub3A = arith.constant 2 : i32
        %sub3A_114 = arith.subi %add3A_84, %sub3A : i32
        %dma_wait3A_115 = arith.constant 0 : i32
        %dma_wait3A_116 = tpu.memref_slice %arg5[%sub3A_114, %dma_wait3A_115, %mul3A_2] : memref<200x64x4096xf32, #tpu.memory_space<hbm>> -> memref<1x64x128xf32, #tpu.memory_space<hbm>>
        %dma_wait3A_117 = tpu.memref_squeeze %dma_wait3A_116 : memref<1x64x128xf32, #tpu.memory_space<hbm>> -> memref<64x128xf32, #tpu.memory_space<hbm>>
        %dma_wait3A_118 = arith.constant 0 : i32
        %dma_wait3A_119 = tpu.memref_slice %arg5[%sub3A_114, %dma_wait3A_118, %mul3A_2] : memref<200x64x4096xf32, #tpu.memory_space<hbm>> -> memref<1x64x128xf32, #tpu.memory_space<hbm>>
        %dma_wait3A_120 = tpu.memref_squeeze %dma_wait3A_119 : memref<1x64x128xf32, #tpu.memory_space<hbm>> -> memref<64x128xf32, #tpu.memory_space<hbm>>
        tpu.wait_dma2 semaphore(%arg15 : memref<!tpu.dma_semaphore, #tpu.memory_space<semaphore_mem>>) src(%arg11 : memref<64x128xf32, #tpu.memory_space<vmem>>) dst(%dma_wait3A_120 : memref<64x128xf32, #tpu.memory_space<hbm>>)
      } else {
      }
      %add3A_103 = vector.broadcast %add3A_84 : i32 to vector<16xi32>
      %add3A_104 = arith.addi %broadcast_in_dim3A_27, %add3A_103 : vector<16xi32>
      %parallel_loop3A_105 = arith.constant 0 : i32
      %parallel_loop3A_106 = arith.constant 64 : i32
      %parallel_loop3A_107 = arith.constant 1 : i32
      scf.for %parallel_loop3A_114 = %parallel_loop3A_105 to %parallel_loop3A_106 step %parallel_loop3A_107  : i32 {
        %parallel_loop3A_115 = vector.broadcast %parallel_loop3A_114 : i32 to vector<16xi32>
        %parallel_loop3A_116 = arith.addi %broadcast_in_dim3A_27, %parallel_loop3A_115 : vector<16xi32>
        %parallel_loop3A_117 = tpu.vector_load_idx %arg7[%parallel_loop3A_116, %add3A_104] : memref<64x256xf32, #tpu.memory_space<vmem>>[vector<16xi32>, vector<16xi32>], vector<16xf32>,
        %parallel_loop3A_118 = tpu.vector_load_idx %arg9[%add3A_5, %parallel_loop3A_116] : memref<128x128xf32, #tpu.memory_space<vmem>>[vector<16xi32>, vector<16xi32>], vector<16xf32>,
        %parallel_loop3A_119 = arith.addf %parallel_loop3A_118, %parallel_loop3A_117 : vector<16xf32>
        %parallel_loop3A_120 = arith.index_cast %parallel_loop3A_114 : i32 to index
        %parallel_loop3A_121 = arith.constant 0 : index
        %parallel_loop3A_122 = tpu.vector_load %arg11[%parallel_loop3A_120, %parallel_loop3A_121] {strides = array<i32>} : memref<64x128xf32, #tpu.memory_space<vmem>>, vector<16xf32>,
        tpu.vector_store %arg11[%parallel_loop3A_120, %parallel_loop3A_121], %parallel_loop3A_119 {strides = array<i32>} : memref<64x128xf32, #tpu.memory_space<vmem>>, vector<16xf32>,
        %parallel_loop3A_123 = tpu.vector_load_idx %arg9[%add3A_8, %parallel_loop3A_116] : memref<128x128xf32, #tpu.memory_space<vmem>>[vector<16xi32>, vector<16xi32>], vector<16xf32>,
        %parallel_loop3A_124 = arith.addf %parallel_loop3A_123, %parallel_loop3A_117 : vector<16xf32>
        %parallel_loop3A_125 = arith.index_cast %parallel_loop3A_114 : i32 to index
        %parallel_loop3A_126 = arith.constant 16 : index
        %parallel_loop3A_127 = tpu.vector_load %arg11[%parallel_loop3A_125, %parallel_loop3A_126] {strides = array<i32>} : memref<64x128xf32, #tpu.memory_space<vmem>>, vector<16xf32>,
        tpu.vector_store %arg11[%parallel_loop3A_125, %parallel_loop3A_126], %parallel_loop3A_124 {strides = array<i32>} : memref<64x128xf32, #tpu.memory_space<vmem>>, vector<16xf32>,
        %parallel_loop3A_128 = tpu.vector_load_idx %arg9[%add3A_11, %parallel_loop3A_116] : memref<128x128xf32, #tpu.memory_space<vmem>>[vector<16xi32>, vector<16xi32>], vector<16xf32>,
        %parallel_loop3A_129 = arith.addf %parallel_loop3A_128, %parallel_loop3A_117 : vector<16xf32>
        %parallel_loop3A_130 = arith.index_cast %parallel_loop3A_114 : i32 to index
        %parallel_loop3A_131 = arith.constant 32 : index
        %parallel_loop3A_132 = tpu.vector_load %arg11[%parallel_loop3A_130, %parallel_loop3A_131] {strides = array<i32>} : memref<64x128xf32, #tpu.memory_space<vmem>>, vector<16xf32>,
        tpu.vector_store %arg11[%parallel_loop3A_130, %parallel_loop3A_131], %parallel_loop3A_129 {strides = array<i32>} : memref<64x128xf32, #tpu.memory_space<vmem>>, vector<16xf32>,
        %parallel_loop3A_133 = tpu.vector_load_idx %arg9[%add3A_14, %parallel_loop3A_116] : memref<128x128xf32, #tpu.memory_space<vmem>>[vector<16xi32>, vector<16xi32>], vector<16xf32>,
        %parallel_loop3A_134 = arith.addf %parallel_loop3A_133, %parallel_loop3A_117 : vector<16xf32>
        %parallel_loop3A_135 = arith.index_cast %parallel_loop3A_114 : i32 to index
        %parallel_loop3A_136 = arith.constant 48 : index
        %parallel_loop3A_137 = tpu.vector_load %arg11[%parallel_loop3A_135, %parallel_loop3A_136] {strides = array<i32>} : memref<64x128xf32, #tpu.memory_space<vmem>>, vector<16xf32>,
        tpu.vector_store %arg11[%parallel_loop3A_135, %parallel_loop3A_136], %parallel_loop3A_134 {strides = array<i32>} : memref<64x128xf32, #tpu.memory_space<vmem>>, vector<16xf32>,
        %parallel_loop3A_138 = tpu.vector_load_idx %arg9[%add3A_17, %parallel_loop3A_116] : memref<128x128xf32, #tpu.memory_space<vmem>>[vector<16xi32>, vector<16xi32>], vector<16xf32>,
        %parallel_loop3A_139 = arith.addf %parallel_loop3A_138, %parallel_loop3A_117 : vector<16xf32>
        %parallel_loop3A_140 = arith.index_cast %parallel_loop3A_114 : i32 to index
        %parallel_loop3A_141 = arith.constant 64 : index
        %parallel_loop3A_142 = tpu.vector_load %arg11[%parallel_loop3A_140, %parallel_loop3A_141] {strides = array<i32>} : memref<64x128xf32, #tpu.memory_space<vmem>>, vector<16xf32>,
        tpu.vector_store %arg11[%parallel_loop3A_140, %parallel_loop3A_141], %parallel_loop3A_139 {strides = array<i32>} : memref<64x128xf32, #tpu.memory_space<vmem>>, vector<16xf32>,
        %parallel_loop3A_143 = tpu.vector_load_idx %arg9[%add3A_20, %parallel_loop3A_116] : memref<128x128xf32, #tpu.memory_space<vmem>>[vector<16xi32>, vector<16xi32>], vector<16xf32>,
        %parallel_loop3A_144 = arith.addf %parallel_loop3A_143, %parallel_loop3A_117 : vector<16xf32>
        %parallel_loop3A_145 = arith.index_cast %parallel_loop3A_114 : i32 to index
        %parallel_loop3A_146 = arith.constant 80 : index
        %parallel_loop3A_147 = tpu.vector_load %arg11[%parallel_loop3A_145, %parallel_loop3A_146] {strides = array<i32>} : memref<64x128xf32, #tpu.memory_space<vmem>>, vector<16xf32>,
        tpu.vector_store %arg11[%parallel_loop3A_145, %parallel_loop3A_146], %parallel_loop3A_144 {strides = array<i32>} : memref<64x128xf32, #tpu.memory_space<vmem>>, vector<16xf32>,
        %parallel_loop3A_148 = tpu.vector_load_idx %arg9[%add3A_23, %parallel_loop3A_116] : memref<128x128xf32, #tpu.memory_space<vmem>>[vector<16xi32>, vector<16xi32>], vector<16xf32>,
        %parallel_loop3A_149 = arith.addf %parallel_loop3A_148, %parallel_loop3A_117 : vector<16xf32>
        %parallel_loop3A_150 = arith.index_cast %parallel_loop3A_114 : i32 to index
        %parallel_loop3A_151 = arith.constant 96 : index
        %parallel_loop3A_152 = tpu.vector_load %arg11[%parallel_loop3A_150, %parallel_loop3A_151] {strides = array<i32>} : memref<64x128xf32, #tpu.memory_space<vmem>>, vector<16xf32>,
        tpu.vector_store %arg11[%parallel_loop3A_150, %parallel_loop3A_151], %parallel_loop3A_149 {strides = array<i32>} : memref<64x128xf32, #tpu.memory_space<vmem>>, vector<16xf32>,
        %parallel_loop3A_153 = tpu.vector_load_idx %arg9[%add3A_26, %parallel_loop3A_116] : memref<128x128xf32, #tpu.memory_space<vmem>>[vector<16xi32>, vector<16xi32>], vector<16xf32>,
        %parallel_loop3A_154 = arith.addf %parallel_loop3A_153, %parallel_loop3A_117 : vector<16xf32>
        %parallel_loop3A_155 = arith.index_cast %parallel_loop3A_114 : i32 to index
        %parallel_loop3A_156 = arith.constant 112 : index
        %parallel_loop3A_157 = tpu.vector_load %arg11[%parallel_loop3A_155, %parallel_loop3A_156] {strides = array<i32>} : memref<64x128xf32, #tpu.memory_space<vmem>>, vector<16xf32>,
        tpu.vector_store %arg11[%parallel_loop3A_155, %parallel_loop3A_156], %parallel_loop3A_154 {strides = array<i32>} : memref<64x128xf32, #tpu.memory_space<vmem>>, vector<16xf32>,
      } {sc.loop_unroll_factor = 8 : i64, sc.parallel_access}
      %dma_start3A_108 = arith.constant 0 : i32
      %dma_start3A_109 = tpu.memref_slice %arg5[%add3A_84, %dma_start3A_108, %mul3A_2] : memref<200x64x4096xf32, #tpu.memory_space<hbm>> -> memref<1x64x128xf32, #tpu.memory_space<hbm>>
      %dma_start3A_110 = tpu.memref_squeeze %dma_start3A_109 : memref<1x64x128xf32, #tpu.memory_space<hbm>> -> memref<64x128xf32, #tpu.memory_space<hbm>>
      %dma_start3A_111 = arith.constant 0 : i32
      %dma_start3A_112 = tpu.memref_slice %arg5[%add3A_84, %dma_start3A_111, %mul3A_2] : memref<200x64x4096xf32, #tpu.memory_space<hbm>> -> memref<1x64x128xf32, #tpu.memory_space<hbm>>
      %dma_start3A_113 = tpu.memref_squeeze %dma_start3A_112 : memref<1x64x128xf32, #tpu.memory_space<hbm>> -> memref<64x128xf32, #tpu.memory_space<hbm>>
      tpu.enqueue_dma source(%arg11 : memref<64x128xf32, #tpu.memory_space<vmem>>) target(%dma_start3A_113 : memref<64x128xf32, #tpu.memory_space<hbm>>) target_semaphore(%arg15 : memref<!tpu.dma_semaphore, #tpu.memory_space<semaphore_mem>>)
    }
    %scan3A_38 = arith.constant 100 : i32
    %dma_wait3A = arith.constant 198 : i32
    %dma_wait3A_39 = arith.constant 0 : i32
    %dma_wait3A_40 = tpu.memref_slice %arg5[%dma_wait3A, %dma_wait3A_39, %mul3A_2] : memref<200x64x4096xf32, #tpu.memory_space<hbm>> -> memref<1x64x128xf32, #tpu.memory_space<hbm>>
    %dma_wait3A_41 = tpu.memref_squeeze %dma_wait3A_40 : memref<1x64x128xf32, #tpu.memory_space<hbm>> -> memref<64x128xf32, #tpu.memory_space<hbm>>
    %dma_wait3A_42 = arith.constant 0 : i32
    %dma_wait3A_43 = tpu.memref_slice %arg5[%dma_wait3A, %dma_wait3A_42, %mul3A_2] : memref<200x64x4096xf32, #tpu.memory_space<hbm>> -> memref<1x64x128xf32, #tpu.memory_space<hbm>>
    %dma_wait3A_44 = tpu.memref_squeeze %dma_wait3A_43 : memref<1x64x128xf32, #tpu.memory_space<hbm>> -> memref<64x128xf32, #tpu.memory_space<hbm>>
    tpu.wait_dma2 semaphore(%arg14 : memref<!tpu.dma_semaphore, #tpu.memory_space<semaphore_mem>>) src(%arg10 : memref<64x128xf32, #tpu.memory_space<vmem>>) dst(%dma_wait3A_44 : memref<64x128xf32, #tpu.memory_space<hbm>>)
    %dma_wait3A_45 = arith.constant 199 : i32
    %dma_wait3A_46 = arith.constant 0 : i32
    %dma_wait3A_47 = tpu.memref_slice %arg5[%dma_wait3A_45, %dma_wait3A_46, %mul3A_2] : memref<200x64x4096xf32, #tpu.memory_space<hbm>> -> memref<1x64x128xf32, #tpu.memory_space<hbm>>
    %dma_wait3A_48 = tpu.memref_squeeze %dma_wait3A_47 : memref<1x64x128xf32, #tpu.memory_space<hbm>> -> memref<64x128xf32, #tpu.memory_space<hbm>>
    %dma_wait3A_49 = arith.constant 0 : i32
    %dma_wait3A_50 = tpu.memref_slice %arg5[%dma_wait3A_45, %dma_wait3A_49, %mul3A_2] : memref<200x64x4096xf32, #tpu.memory_space<hbm>> -> memref<1x64x128xf32, #tpu.memory_space<hbm>>
    %dma_wait3A_51 = tpu.memref_squeeze %dma_wait3A_50 : memref<1x64x128xf32, #tpu.memory_space<hbm>> -> memref<64x128xf32, #tpu.memory_space<hbm>>
    tpu.wait_dma2 semaphore(%arg15 : memref<!tpu.dma_semaphore, #tpu.memory_space<semaphore_mem>>) src(%arg11 : memref<64x128xf32, #tpu.memory_space<vmem>>) dst(%dma_wait3A_51 : memref<64x128xf32, #tpu.memory_space<hbm>>)
    return
  }
}

</mosaic_0001>

<sc_bundles>
// kernel: kernel.3.cloned.1.call-start
scs
__scs_entry_jumppad:
0x0: {  	(pc) =	sbr.rel $0x88, $3  }
0x1: {  	(tag) =	ssettag $0x0;
	lr =	simm.s32 $0x1  }
0x2: {  	[smem:$0x3F9E] =	sst lr;
	_ =	strace $0xD0000000  }
0x3: {  	_ = 	snop  }
0x4: {  	_ = 	snop  }
0x5: {  	_ = 	snop  }
0x6: {  	_ = 	snop  }
0x7: {  	_ = 	snop  }
__scs_overlays_trampoline_lowered:
0x8: {  	[smem:$0x3FAD] =	sst s0  }
0x9: {  	[smem:$0x3FAE] =	sst s1  }
0xa: {  	[smem:$0x3FAF] =	sst s2  }
0xb: {  	[smem:$0x3FB0] =	sst s3  }
0xc: {  	[smem:$0x3FB1] =	sst s4  }
0xd: {  	[smem:$0x3FB2] =	sst s5  }
0xe: {  	[smem:$0x3FB3] =	sst s6  }
0xf: {  	[smem:$0x3FB4] =	sst s7  }
0x10: {  	[smem:$0x3FB5] =	sst s8  }
0x11: {  	[smem:$0x3FB6] =	sst s9;
	s0 =	simm.s32 @!p0 $0x0  }
0x12: {  	s1 =	sld [smem:$0x3F9C];
	s0 =	simm.s32 @p0 $0x1  }
0x13: {  	[smem:$0x3FB7] =	sst s0;
	s0 =	simm.s32 @!p1 $0x0  }
0x14: {  	s2 =	sld [smem:$0x3F9B];
	s0 =	simm.s32 @p1 $0x1  }
0x15: {  	[smem:$0x3FB8] =	sst s0;
	s0 =	simm.s32 @!p2 $0x0  }
0x16: {  	s3 =	sld [smem:$0x3FDB];
	s0 =	simm.s32 @p2 $0x1  }
0x17: {  	s4 =	simm.s32 $0x1BF5;
	[smem:$0x3FBA] =	sst s0  }
0x18: {  	s0 =	sld [smem:$0x3F9D];
	_ =	swait.ge [sflag:s4], $0x0  }
0x19: {  	s7 =	sld [smem:$0x3F9E]  }
0x1a: {  	s8 =	sadd.s32 $0xFFFFE003, lr  }
0x1b: {  	s9 =	sadd.s32 $0xFFFFFEF7, lr;
	s5 =	simm.s32 $0xFFFFFFFF;
	p2 =	slt.u32 s8, $0xFFFFF086  }
0x1c: {  	p1 =	slt.u32 s9, $0xF7A;
	s5 =	simm.s32 @!p2 $0x0  }
0x1d: {  	s5 =	simm.s32 @p1 $0x1;
	p0 =	seq.s32 s7, s2  }
0x1e: {  	s7 =	smul.u32 @!p0 $0xF7A, s2;
	p2 =	seq.s32 @!p0 s5, $0x0  }
0x1f: {  	s9 =	smul.u32 $0xF7A, s1;
	s8 =	simm.s32 @!p0 $0x1BF5;
	p2 =	por !p2, p0  }
0x20: {  	[sflag:s8] =	ssyncset.s32 @!p0 $0xFFFFF086;
	s6 =	sadd.s32 @!p0 s3, s7;
	s7 =	simm.s32 @!p0 $0x108  }
0x21: {  	s3 =	sadd.s32 s3, s9;
	s6 =	sadd.s32 @!p0 $0x88, s6;
	s7 =	simm.s32 @p2 $0x1082  }
0x22: {  	[simem:s7], [sflag:s8] =	dma.local @!p0 [hbm:s6], $0xF7A  }
0x23: {  	s9 =	sor.u32 $0xD0000000, s2;
	s6 =	simm.s32 $0x108;
	_ =	swait.ge @!p0 [sflag:s8], $0x0  }
0x24: {  	s3 =	sadd.s32 $0x88, s3;
	s6 =	simm.s32 @!p1 $0x1082;
	[sflag:s4] =	ssyncset.s32 $0xFFFFF086  }
0x25: {  	[simem:s6], [sflag:s4] =	dma.local [hbm:s3], $0xF7A  }
0x26: {  	[smem:$0x3F9E] =	sst s1;
	(tag) =	ssettag s2;
	_ =	strace s9  }
0x27: {  	s1 =	sld [smem:$0x3FAE]  }
0x28: {  	s2 =	sld [smem:$0x3FAF]  }
0x29: {  	s4 =	sld [smem:$0x3FB1]  }
0x2a: {  	p0 =	seq.s32 s5, $0x0;
	s5 =	sld [smem:$0x3FB2]  }
0x2b: {  	s6 =	sld [smem:$0x3FB3]  }
0x2c: {  	s7 =	sld [smem:$0x3FB4]  }
0x2d: {  	s3 =	simm.s32 $0x108;
	s8 =	sld [smem:$0x3FB5]  }
0x2e: {  	s3 =	simm.s32 @!p0 $0x1082;
	s9 =	sld [smem:$0x3FB6]  }
0x2f: {  	lr =	sadd.s32 s0, s3;
	s0 =	sld [smem:$0x3FAD]  }
0x30: {  	s3 =	sld [smem:$0x3FB0]  }
0x31: {  	[smem:$0x3FB9] =	sst s10  }
0x32: {  	s10 =	sld [smem:$0x3FB7];
	_ =	sdelay $0x3  }
0x33: {  	p0 =	seq.s32 s10, $0x1;
	s10 =	sld [smem:$0x3FB9];
	_ =	sdelay $0x3  }
0x34: {  	[smem:$0x3FB9] =	sst s10  }
0x35: {  	s10 =	sld [smem:$0x3FB8];
	_ =	sdelay $0x3  }
0x36: {  	p1 =	seq.s32 s10, $0x1;
	s10 =	sld [smem:$0x3FB9];
	_ =	sdelay $0x3  }
0x37: {  	[smem:$0x3FB9] =	sst s10  }
0x38: {  	s10 =	sld [smem:$0x3FBA]  }
0x39: {  	_ = 	snop;
	(pc) =	sbr.ind lr, $3  }
0x3a: {  	_ = 	snop  }
0x3b: {  	_ = 	snop  }
0x3c: {  	p2 =	seq.s32 s10, $0x1;
	s10 =	sld [smem:$0x3FB9]  }
0x3d: {  	_ =	shalt  }
0x3e: {  	_ =	shalt  }
0x3f: {  	_ =	shalt  }
0x40: {  	_ =	shalt  }
0x41: {  	_ =	shalt  }
0x42: {  	_ =	shalt  }
0x43: {  	_ =	shalt  }
0x44: {  	_ =	shalt  }
0x45: {  	_ =	shalt  }
0x46: {  	_ =	shalt  }
0x47: {  	_ =	shalt  }
0x48: {  	_ =	shalt  }
0x49: {  	_ =	shalt  }
0x4a: {  	_ =	shalt  }
0x4b: {  	_ =	shalt  }
0x4c: {  	_ =	shalt  }
0x4d: {  	_ =	shalt  }
0x4e: {  	_ =	shalt  }
0x4f: {  	_ =	shalt  }
0x50: {  	_ =	shalt  }
0x51: {  	_ =	shalt  }
0x52: {  	_ =	shalt  }
0x53: {  	_ =	shalt  }
0x54: {  	_ =	shalt  }
0x55: {  	_ =	shalt  }
0x56: {  	_ =	shalt  }
0x57: {  	_ =	shalt  }
0x58: {  	_ =	shalt  }
0x59: {  	_ =	shalt  }
0x5a: {  	_ =	shalt  }
0x5b: {  	_ =	shalt  }
0x5c: {  	_ =	shalt  }
0x5d: {  	_ =	shalt  }
0x5e: {  	_ =	shalt  }
0x5f: {  	_ =	shalt  }
0x60: {  	_ =	shalt  }
0x61: {  	_ =	shalt  }
0x62: {  	_ =	shalt  }
0x63: {  	_ =	shalt  }
0x64: {  	_ =	shalt  }
0x65: {  	_ =	shalt  }
0x66: {  	_ =	shalt  }
0x67: {  	_ =	shalt  }
0x68: {  	_ =	shalt  }
0x69: {  	_ =	shalt  }
0x6a: {  	_ =	shalt  }
0x6b: {  	_ =	shalt  }
0x6c: {  	_ =	shalt  }
0x6d: {  	_ =	shalt  }
0x6e: {  	_ =	shalt  }
0x6f: {  	_ =	shalt  }
0x70: {  	_ =	shalt  }
0x71: {  	_ =	shalt  }
0x72: {  	_ =	shalt  }
0x73: {  	_ =	shalt  }
0x74: {  	_ =	shalt  }
0x75: {  	_ =	shalt  }
0x76: {  	_ =	shalt  }
0x77: {  	_ =	shalt  }
0x78: {  	_ =	shalt  }
0x79: {  	_ =	shalt  }
0x7a: {  	_ =	shalt  }
0x7b: {  	_ =	shalt  }
0x7c: {  	_ =	shalt  }
0x7d: {  	_ =	shalt  }
0x7e: {  	_ =	shalt  }
0x7f: {  	_ =	shalt  }
0x80: {  	_ =	shalt  }
0x81: {  	_ =	shalt  }
0x82: {  	_ =	shalt  }
0x83: {  	_ =	shalt  }
0x84: {  	_ =	shalt  }
0x85: {  	_ =	shalt  }
0x86: {  	_ =	shalt  }
0x87: {  	_ =	shalt  }
.Lfunc_end0:
.L_simem_size_0:
called_computation_lowered:
.L_overlay_start_0:
0x88: {  	s2 =	sld [smem:$0x3FD9]  }
0x89: {  	s3 =	sld [smem:$0x3FFE];
	_ =	sdelay $0x1  }
0x8a: {  	s1 =	srdreg.scid  }
0x8b: {  	s0 =	sand.u32 $0x1, s1  }
0x8c: {  	s17 =	sshll.u32 s0, $0xA;
	s2 =	sadd.s32 s3, s2  }
0x8d: {  	s2 =	sadd.s32 s2, s17  }
0x8e: {  	[smem:$0x3FC5] =	sst s2  }
0x8f: {  	_ = 	snop  }
0x90: {  	s2 =	sld [smem:$0x3FC9]  }
0x91: {  	s18 =	sld [smem:$0x3FD0];
	(tm) =	ssettm $0x1  }
0x92: {  	s4 =	sld [smem:$0x3FFB];
	_ =	sdelay $0x3  }
0x93: {  	_ =	strace s4  }
0x94: {  	s4 =	sld [smem:$0x3FFC];
	_ =	sdelay $0x3  }
0x95: {  	_ =	strace s4  }
0x96: {  	s4 =	sld [smem:$0x3FFD];
	_ =	sdelay $0x3  }
0x97: {  	_ =	strace s4  }
0x98: {  	_ =	strace $0x8FFFFFFF  }
0x99: {  	s19 =	sld [smem:$0x3FDB];
	_ =	sdelay $0x1  }
0x9a: {  	s5 =	simm.s32 $_scs_section_size  }
0x9b: {  	s6 =	simm.s32 $_size__tile_overlayer_lowered;
	s7 =	simm.s32 $_tile_overlayer_lowered  }
0x9c: {  	s22 =	simm.s32 $0x1BFF;
	s21 =	sshll.u32 s7, $0x1;
	s4 =	sadd.s32 s5, s19  }
0x9d: {  	s8 =	simm.s32 $0x0;
	s20 =	sshll.u32 s6, $0x1;
	s6 =	sadd.s32 s21, s4  }
0x9e: {  	[timem:s8], [sflag:s22] =	dma.local [hbm:s6], s20  }
0x9f: {  	_ =	swait.ge [sflag:s22], s20  }
0xa0: {  	s5 =	ssub.s32 $0x0, s20;
	[sflag:s22] =	ssyncset.done $0x0  }
0xa1: {  	[sflag:s22] =	ssyncadd.s32 s5;
	_ =	sdelay $0x1  }
0xa2: {  	s23 =	simm.s32 $0x1B8B  }
0xa3: {  	_ =	swait.ge [sflag:s23], $0x1  }
0xa4: {  	[sflag:s23] =	ssyncset.done $0x0  }
0xa5: {  	s25 =	simm.s32 $0x1B8E;
	s24 =	sld [smem:$0x3FFE];
	[sflag:s23] =	ssyncadd.s32 $0xFFFFFFFF  }
0xa6: {  	s26 =	simm.s32 $execute0_lowered;
	[smem:$0x3FD2] =	sst s25  }
0xa7: {  	s6 =	sshll.u32 s26, $0x1;
	_ =	strace $0x80000046;
	[dreg:$0x1] =	wrdreg $0xFFFFFFFF  }
0xa8: {  	s28 =	simm.s32 $_size_execute0_lowered;
	s4 =	sadd.s32 s4, s6;
	[dreg:$0x0] =	wrdreg $0x0  }
0xa9: {  	s6 =	sshll.u32 s28, $0x1;
	[dreg:$0x2] =	wrdreg s4  }
0xaa: {  	[dreg:$0x3] =	wrdreg s6  }
0xab: {  	[dreg:$0x4] =	wrdreg $0xC0  }
0xac: {  	_ =	task [dreg:s8], $0x5FFFF  }
0xad: {  	[dreg:$0x1] =	wrdreg $0xFFFFFFFF  }
0xae: {  	[dreg:$0x0] =	wrdreg $0x60  }
0xaf: {  	[dreg:$0x2] =	wrdreg s2  }
0xb0: {  	[dreg:$0x3] =	wrdreg s24  }
0xb1: {  	[dreg:$0x4] =	wrdreg s18  }
0xb2: {  	[dreg:$0x5] =	wrdreg $0x9  }
0xb3: {  	_ =	task.clear_ibuf [dreg:s8], $0x6FFFF;
	_ =	strace $0x90000046  }
0xb4: {  	s29 =	simm.s32 $0x9;
	_ =	strace $0x80000048  }
0xb5: {  	_ =	swait.ge [sflag:s29], $0x1  }
0xb6: {  	[sflag:s29] =	ssyncadd.s32 $0xFFFFFFFF  }
0xb7: {  	_ =	strace $0x90000048  }
0xb8: {  	_ =	sfence  }
0xb9: {  	s30 =	sld [smem:$0x0];
	_ =	sdelay $0x2  }
0xba: {  	s31 =	sshll.u32 s1, $0xD;
	s1 =	sshrl.u32 s1, $0x2  }
0xbb: {  	s3 =	sand.u32 $0x4000, s31;
	s1 =	sadd.s32 s1, s30  }
0xbc: {  	s0 =	sor.u32 s3, s0;
	s1 =	sshll.u32 s1, $0x11  }
0xbd: {  	s0 =	sor.u32 s1, s0  }
0xbe: {  	s0 =	sadd.s32 $0x8F2B, s0  }
0xbf: {  	[sflag:s0] =	ssyncadd.remote.s32 $0x1  }
0xc0: {  	_ =	sfence.sel $0xFFFF  }
0xc1: {  	[dreg:$0x0] =	wrdreg $0xFFFFFFFF;
	(pc) =	sbr.abs _section_cstart, $3  }
0xc2: {  	[dreg:$0x1] =	wrdreg $0xFFFFFFFF  }
0xc3: {  	_ =	task.clear_ibuf [dreg:s8], $0x2FFFF;
	_ =	strace $0x9FFFFFFF  }
0xc4: {  	(tm) =	ssettm $0x7FFFFFFF  }
0xc5: {  	_ =	shalt  }
tec
execute0_lowered:
.L_overlay_start_1:
0x0: {  	(tag) =	ssettag $0x1  }
0x1: {  	s0 =	rddreg [dreg:$0x0]  }
0x2: {  	s1 =	rddreg [dreg:$0x1]  }
0x3: {  	s2 =	rddreg [dreg:$0x2];
	s3 =	srdreg.scid  }
0x4: {  	s5 =	simm.s32 $0x0;
	s4 =	stileid.u32;
	s9 =	simm.s32 $0x6400  }
0x5: {  	s11 =	simm.s32 $0x400;
	s12 =	simm.s32 $0x8000;
	s13 =	simm.s32 $0x80  }
0x6: {  	s14 =	simm.s32 $0xA400;
	s15 =	simm.s32 $0x1;
	s16 =	simm.s32 $0xE400  }
0x7: {  	s18 =	simm.s32 $0x2;
	s3 =	sand.u32 $0x1, s3;
	[smem:$0x7FF] =	sst s5  }
0x8: {  	v0 =	vlaneseq.u32;
	s4 =	sshll.u32 s4, $0xB;
	s5 =	sadd.s32 $0xF42A00, s1;
	s29 =	sshll.u32 s3, $0xA  }
0x9: {  	s1 =	sadd.s32 $0x600, s1;
	v0 =	vmul.u32 $0x80, v0;
	s3 =	ssub.s32 $0x2, s3;
	s4 =	sor.u32 s29, s4  }
0xa: {  	_ =	strace $0x80000047;
	s6 =	sshrl.u32 s3, $0x1;
	s7 =	sshrl.u32 s4, $0x3  }
0xb: {  	[dreg:$0x4] =	wrdreg s1;
	v1 =	vor.u32 $0x800, v0;
	s30 =	ssub.s32 s3, s6;
	s0 =	sadd.s32 s0, s7  }
0xc: {  	s19 =	simm.s32 $0x14400;
	v2 =	vor.u32 $0x1000, v0;
	v3 =	vor.u32 $0x1800, v0;
	v4 =	vor.u32 $0x2000, v0;
	s31 =	smax.u32 s30, $0x1;
	[dreg:$0x5] =	wrdreg s0  }
0xd: {  	s21 =	simm.s32 $0x4;
	s1 =	simm.s32 $0x0;
	v5 =	vor.u32 $0x2800, v0;
	v6 =	vor.u32 $0x3000, v0;
	v7 =	vor.u32 $0x3800, v0;
	[dreg:$0x6] =	wrdreg s31  }
.LBB2_1:
0xe: {  	[dreg:$0x7] =	wrdreg s1  }
0xf: {  	s0 =	simm.s32 $0x0;
	s30 =	rddreg [dreg:$0x4];
	s3 =	simm.s32 $0x5  }
0x10: {  	[tilespmem:s9], [sflag:$0x5] =	stream.linear.gather [hbm4b:s30+s0], $0x4000, $0x38;
	[tilespmem:$0x16400] =	vst v63  }
0x11: {  	_ =	swait.ge [sflag:s3], $0x4000  }
0x12: {  	[sflag:s3] =	ssyncset.done $0x0  }
0x13: {  	s31 =	rddreg [dreg:$0x5];
	[sflag:s3] =	ssyncadd.s32 $0xFFFFC000  }
0x14: {  	[tilespmem:s0], [sflag:$0x5] =	stream.strided.gather [hbm4b:s31+s11], $0x6400, s12, s11, $0x38;
	[tilespmem:$0x16400] =	vst v63  }
0x15: {  	_ =	swait.ge [sflag:s3], $0x6400  }
0x16: {  	[sflag:s3] =	ssyncset.done $0x0  }
0x17: {  	s23 =	simm.s32 $0x0;
	[sflag:s3] =	ssyncadd.s32 $0xFFFF9C00  }
0x18: {  	[tilespmem:s14], [sflag:$0x1] =	stream.indirect.gather [hbm4b:s5+s13], $0x80, s0, s13, $0xb8;
	[tilespmem:$0x16400] =	vst v63  }
.LBB2_2:
0x19: {  	s0 =	sshll.u32 s23, $0x1  }
0x1a: {  	_ =	swait.ge [sflag:s15], $0x4000;
	s24 =	sshllo.u32 s23, $0x1;
	p0 =	seq.s32 s23, $0x0  }
0x1b: {  	s17 =	simm.s32 $0x0;
	s6 =	simm.s32 $0x1;
	s20 =	simm.s32 $0x2  }
0x1c: {  	s3 =	simm.s32 $0x4;
	s8 =	simm.s32 $0x5;
	s7 =	simm.s32 $0x6;
	v8 =	vmov s0;
	v16 =	vor.u32 s17, v0;
	v17 =	vor.u32 s6, v0  }
0x1d: {  	s22 =	simm.s32 $0x7;
	[sflag:s15] =	ssyncset.done $0x0;
	s10 =	sshll.u32 s24, $0x7;
	v18 =	vor.u32 s20, v0;
	v20 =	vor.u32 s3, v0;
	v21 =	vor.u32 s8, v0  }
0x1e: {  	s1 =	simm.s32 @!p0 $0x3;
	v22 =	vor.u32 s7, v0;
	v23 =	vmov s6;
	v24 =	vmov s20;
	[sflag:s15] =	ssyncadd.s32 $0xFFFFC000;
	s0 =	sand.u32 $0x3FFFFF80, s10  }
0x1f: {  	v26 =	vmov s3;
	v27 =	vmov s22;
	v30 =	vor.u32 s22, v0;
	[tilespmem:s16], [sflag:$0x2] =	stream.indirect.gather [hbm4b:s5+s13], $0x80, s0, s13, $0xb8;
	[tilespmem:$0x16400] =	vst v63  }
0x20: {  	v9 =	vshll.u32 v8, $0x3;
	v8 =	vand.u32 $0x7E, v8;
	s10 =	simm.s32 $0x3;
	v23 =	vshll.u32 v23, $0x8;
	_ =	swait.ge @!p0 [sflag:s1], $0x2000  }
0x21: {  	v27 =	vshll.u32 v27, $0x8;
	v9 =	vand.u32 $0x400, v9;
	v19 =	vor.u32 s10, v0;
	[sflag:s1] =	ssyncset.done @!p0 $0x0  }
0x22: {  	v27 =	vand.u32 $0x3800, v27;
	v23 =	vand.u32 $0x3800, v23;
	v8 =	vor.u32 v8, v9;
	[sflag:s1] =	ssyncadd.s32 @!p0 $0xFFFFE000  }
0x23: {  	v14 =	vor.u32 $0x80, v8;
	v13 =	vor.u32 $0x100, v8;
	v11 =	vor.u32 $0x180, v8;
	v25 =	vld.idx.msk [tilespmem:v16+s14+$0x0], $0xffff  }
0x24: {  	v12 =	vor.u32 $0x200, v8;
	v10 =	vor.u32 $0x280, v8;
	v9 =	vor.u32 $0x300, v8;
	v28 =	vld.idx.msk [tilespmem:v17+s14+$0x0], $0xffff  }
0x25: {  	v15 =	vor.u32 $0x380, v8;
	v16 =	vmov s10;
	v17 =	vmov s8;
	v29 =	vld.idx.msk [tilespmem:v18+s14+$0x0], $0xffff  }
0x26: {  	v18 =	vmov s7;
	v31 =	vld.idx.msk [tilespmem:v19+s14+$0x0], $0xffff;
	v19 =	vshll.u32 v24, $0x8;
	v24 =	vor.u32 v27, v15  }
0x27: {  	v27 =	vld.idx.msk [tilespmem:v20+s14+$0x0], $0xffff;
	v16 =	vshll.u32 v16, $0x8;
	v20 =	vor.u32 v23, v14;
	v19 =	vand.u32 $0x3800, v19  }
0x28: {  	v32 =	vld.idx.msk [tilespmem:v21+s14+$0x0], $0xffff;
	v21 =	vshll.u32 v26, $0x8;
	v16 =	vand.u32 $0x3800, v16;
	v19 =	vor.u32 v19, v13  }
0x29: {  	v26 =	vld.idx.msk [tilespmem:v22+s14+$0x0], $0xffff;
	v17 =	vshll.u32 v17, $0x8;
	v21 =	vand.u32 $0x3800, v21;
	v16 =	vor.u32 v16, v11  }
0x2a: {  	v30 =	vld.idx.msk [tilespmem:v30+s14+$0x0], $0xffff;
	v18 =	vshll.u32 v18, $0x8;
	v33 =	vor.u32 v21, v12;
	v17 =	vand.u32 $0x3800, v17  }
0x2b: {  	v21 =	vmov s17;
	v18 =	vand.u32 $0x3800, v18;
	v17 =	vor.u32 v17, v10;
	v24 =	vld.idx.msk [tilespmem:v24+s9+$0x0], $0xffff  }
0x2c: {  	v21 =	vshll.u32 v21, $0x8;
	v18 =	vor.u32 v18, v9;
	v22 =	vld.idx.msk [tilespmem:v20+s9+$0x0], $0xffff  }
0x2d: {  	s25 =	simm.s32 $0x8;
	v34 =	vor.u32 v8, v21;
	v23 =	vld.idx.msk [tilespmem:v19+s9+$0x0], $0xffff  }
0x2e: {  	v35 =	vor.u32 s25, v0;
	v21 =	vld.idx.msk [tilespmem:v16+s9+$0x0], $0xffff  }
0x2f: {  	v53 =	vor.u32 s22, v1;
	v19 =	vld.idx.msk [tilespmem:v33+s9+$0x0], $0xffff  }
0x30: {  	v36 =	vor.u32 s6, v1;
	v20 =	vld.idx.msk [tilespmem:v17+s9+$0x0], $0xffff  }
0x31: {  	v37 =	vor.u32 s20, v1;
	v17 =	vld.idx.msk [tilespmem:v18+s9+$0x0], $0xffff;
	v30 =	vadd.f32 v30, v24  }
0x32: {  	v54 =	vor.u32 s10, v1;
	s1 =	simm.s32 $0x12600;
	v18 =	vld.idx.msk [tilespmem:v34+s9+$0x0], $0xffff;
	v28 =	vadd.f32 v28, v22  }
0x33: {  	s26 =	simm.s32 $0x9;
	v55 =	vor.u32 s3, v1;
	v16 =	vld.idx.msk [tilespmem:v35+s14+$0x0], $0xffff;
	v29 =	vadd.f32 v29, v23;
	[tilespmem:s1+$0x180] =	vst v30  }
0x34: {  	v58 =	vor.u32 s26, v0;
	[tilespmem:s1+$0xFFFFFE80] =	vst v28;
	v28 =	vadd.f32 v31, v21;
	v31 =	vld.idx.msk [tilespmem:v53+s14+$0x0], $0xffff  }
0x35: {  	v30 =	vor.u32 s8, v1;
	v27 =	vadd.f32 v27, v19;
	v56 =	vld.idx.msk [tilespmem:v36+s14+$0x0], $0xffff;
	[tilespmem:s1+$0xFFFFFF00] =	vst v29  }
0x36: {  	v29 =	vor.u32 s7, v1;
	[tilespmem:s1+$0xFFFFFF80] =	vst v28;
	v28 =	vadd.f32 v32, v20;
	v37 =	vld.idx.msk [tilespmem:v37+s14+$0x0], $0xffff  }
0x37: {  	v57 =	vor.u32 s17, v1;
	v25 =	vadd.f32 v25, v18;
	[tilespmem:s1+$0x0] =	vst v27;
	v34 =	vld.idx.msk [tilespmem:v54+s14+$0x0], $0xffff  }
0x38: {  	v26 =	vadd.f32 v26, v17;
	v27 =	vld.idx.msk [tilespmem:v55+s14+$0x0], $0xffff;
	[tilespmem:s1+$0x80] =	vst v28;
	v28 =	vor.u32 s22, v2  }
0x39: {  	v59 =	vor.u32 s6, v2;
	[tilespmem:s1+$0xFFFFFE00] =	vst v25;
	v25 =	vld.idx.msk [tilespmem:v58+s14+$0x0], $0xffff  }
0x3a: {  	[tilespmem:s1+$0x100] =	vst v26;
	v26 =	vor.u32 s20, v2;
	v30 =	vld.idx.msk [tilespmem:v30+s14+$0x0], $0xffff;
	v31 =	vadd.f32 v31, v24  }
0x3b: {  	v38 =	vor.u32 s10, v2;
	v33 =	vadd.f32 v56, v22;
	v29 =	vld.idx.msk [tilespmem:v29+s14+$0x0], $0xffff  }
0x3c: {  	v61 =	vor.u32 s3, v2;
	v36 =	vld.idx.msk [tilespmem:v57+s14+$0x0], $0xffff;
	v60 =	vadd.f32 v37, v23;
	[tilespmem:s1+$0x190] =	vst v31  }
0x3d: {  	v62 =	vor.u32 s8, v2;
	[tilespmem:s1+$0xFFFFFE90] =	vst v33;
	v31 =	vadd.f32 v34, v21;
	v28 =	vld.idx.msk [tilespmem:v28+s14+$0x0], $0xffff  }
0x3e: {  	v42 =	vor.u32 s7, v2;
	v27 =	vadd.f32 v27, v19;
	v63 =	vld.idx.msk [tilespmem:v59+s14+$0x0], $0xffff;
	[tilespmem:s1+$0xFFFFFF10] =	vst v60  }
0x3f: {  	s28 =	simm.s32 $0xA;
	v43 =	vor.u32 s17, v2;
	[tilespmem:s1+$0xFFFFFF90] =	vst v31;
	v39 =	vld.idx.msk [tilespmem:v26+s14+$0x0], $0xffff;
	v26 =	vadd.f32 v30, v20  }
0x40: {  	[tilespmem:s1+$0x10] =	vst v27;
	v30 =	vor.u32 s28, v0;
	v31 =	vld.idx.msk [tilespmem:v38+s14+$0x0], $0xffff;
	v27 =	vadd.f32 v29, v17  }
0x41: {  	v45 =	vor.u32 s22, v3;
	v44 =	vld.idx.msk [tilespmem:v61+s14+$0x0], $0xffff;
	v29 =	vadd.f32 v36, v18;
	[tilespmem:s1+$0x90] =	vst v26  }
0x42: {  	v46 =	vor.u32 s6, v3;
	v33 =	vld.idx.msk [tilespmem:v62+s14+$0x0], $0xffff;
	[tilespmem:s1+$0x110] =	vst v27  }
0x43: {  	[tilespmem:s1+$0xFFFFFE10] =	vst v29;
	v27 =	vor.u32 s20, v3;
	v28 =	vadd.f32 v28, v24;
	v29 =	vld.idx.msk [tilespmem:v42+s14+$0x0], $0xffff  }
0x44: {  	v48 =	vor.u32 s10, v3;
	v34 =	vadd.f32 v63, v22;
	v47 =	vld.idx.msk [tilespmem:v43+s14+$0x0], $0xffff  }
0x45: {  	v49 =	vor.u32 s3, v3;
	v26 =	vld.idx.msk [tilespmem:v30+s14+$0x0], $0xffff;
	v30 =	vadd.f32 v39, v23;
	[tilespmem:s1+$0x1A0] =	vst v28  }
0x46: {  	[tilespmem:s1+$0xFFFFFEA0] =	vst v34;
	v28 =	vadd.f32 v31, v21;
	v31 =	vor.u32 s8, v3;
	v50 =	vld.idx.msk [tilespmem:v45+s14+$0x0], $0xffff  }
0x47: {  	v52 =	vor.u32 s7, v3;
	v51 =	vld.idx.msk [tilespmem:v46+s14+$0x0], $0xffff;
	[tilespmem:s1+$0xFFFFFF20] =	vst v30;
	v30 =	vadd.f32 v44, v19  }
0x48: {  	s29 =	simm.s32 $0xB;
	v53 =	vor.u32 s17, v3;
	[tilespmem:s1+$0xFFFFFFA0] =	vst v28;
	v40 =	vld.idx.msk [tilespmem:v27+s14+$0x0], $0xffff;
	v27 =	vadd.f32 v33, v20  }
0x49: {  	v28 =	vor.u32 s29, v0;
	v54 =	vld.idx.msk [tilespmem:v48+s14+$0x0], $0xffff;
	[tilespmem:s1+$0x20] =	vst v30;
	v29 =	vadd.f32 v29, v17  }
0x4a: {  	v56 =	vor.u32 s22, v4;
	v30 =	vadd.f32 v47, v18;
	v55 =	vld.idx.msk [tilespmem:v49+s14+$0x0], $0xffff;
	[tilespmem:s1+$0xA0] =	vst v27  }
0x4b: {  	v57 =	vor.u32 s6, v4;
	v31 =	vld.idx.msk [tilespmem:v31+s14+$0x0], $0xffff;
	[tilespmem:s1+$0x120] =	vst v29  }
0x4c: {  	[tilespmem:s1+$0xFFFFFE20] =	vst v30;
	v29 =	vor.u32 s20, v4;
	v34 =	vadd.f32 v50, v24;
	v30 =	vld.idx.msk [tilespmem:v52+s14+$0x0], $0xffff  }
0x4d: {  	v59 =	vor.u32 s10, v4;
	v37 =	vadd.f32 v51, v22;
	v58 =	vld.idx.msk [tilespmem:v53+s14+$0x0], $0xffff  }
0x4e: {  	v60 =	vor.u32 s3, v4;
	v27 =	vld.idx.msk [tilespmem:v28+s14+$0x0], $0xffff;
	v28 =	vadd.f32 v40, v23;
	[tilespmem:s1+$0x1B0] =	vst v34  }
0x4f: {  	s30 =	simm.s32 $0xC;
	v61 =	vor.u32 s8, v4;
	[tilespmem:s1+$0xFFFFFEB0] =	vst v37;
	v33 =	vadd.f32 v54, v21;
	v35 =	vld.idx.msk [tilespmem:v56+s14+$0x0], $0xffff  }
0x50: {  	v44 =	vor.u32 s30, v0;
	v37 =	vld.idx.msk [tilespmem:v57+s14+$0x0], $0xffff;
	[tilespmem:s1+$0xFFFFFF30] =	vst v28;
	v28 =	vadd.f32 v55, v19  }
0x51: {  	v62 =	vor.u32 s7, v4;
	[tilespmem:s1+$0xFFFFFFB0] =	vst v33;
	v29 =	vld.idx.msk [tilespmem:v29+s14+$0x0], $0xffff;
	v31 =	vadd.f32 v31, v20  }
0x52: {  	v63 =	vor.u32 s17, v4;
	v38 =	vld.idx.msk [tilespmem:v59+s14+$0x0], $0xffff;
	[tilespmem:s1+$0x30] =	vst v28;
	v28 =	vadd.f32 v30, v17  }
0x53: {  	v46 =	vor.u32 s6, v5;
	v30 =	vadd.f32 v58, v18;
	v45 =	vld.idx.msk [tilespmem:v60+s14+$0x0], $0xffff;
	[tilespmem:s1+$0xB0] =	vst v31  }
0x54: {  	v31 =	vor.u32 s22, v5;
	v34 =	vld.idx.msk [tilespmem:v61+s14+$0x0], $0xffff;
	[tilespmem:s1+$0x130] =	vst v28  }
0x55: {  	[tilespmem:s1+$0xFFFFFE30] =	vst v30;
	v30 =	vor.u32 s20, v5;
	v37 =	vadd.f32 v37, v22;
	v28 =	vld.idx.msk [tilespmem:v44+s14+$0x0], $0xffff  }
0x56: {  	v41 =	vor.u32 s10, v5;
	v35 =	vadd.f32 v35, v24;
	v32 =	vld.idx.msk [tilespmem:v62+s14+$0x0], $0xffff  }
0x57: {  	v47 =	vor.u32 s3, v5;
	v39 =	vld.idx.msk [tilespmem:v63+s14+$0x0], $0xffff;
	v29 =	vadd.f32 v29, v23;
	[tilespmem:s1+$0xFFFFFEC0] =	vst v37  }
0x58: {  	s31 =	simm.s32 $0xD;
	v49 =	vor.u32 s8, v5;
	[tilespmem:s1+$0x1C0] =	vst v35;
	v48 =	vadd.f32 v38, v21;
	v50 =	vld.idx.msk [tilespmem:v46+s14+$0x0], $0xffff  }
0x59: {  	v53 =	vor.u32 s31, v0;
	v31 =	vld.idx.msk [tilespmem:v31+s14+$0x0], $0xffff;
	[tilespmem:s1+$0xFFFFFF40] =	vst v29;
	v29 =	vadd.f32 v45, v19  }
0x5a: {  	v51 =	vor.u32 s7, v5;
	[tilespmem:s1+$0xFFFFFFC0] =	vst v48;
	v30 =	vld.idx.msk [tilespmem:v30+s14+$0x0], $0xffff;
	v34 =	vadd.f32 v34, v20  }
0x5b: {  	v52 =	vor.u32 s17, v5;
	v41 =	vld.idx.msk [tilespmem:v41+s14+$0x0], $0xffff;
	[tilespmem:s1+$0x40] =	vst v29  }
0x5c: {  	v56 =	vor.u32 s6, v6;
	v29 =	vadd.f32 v32, v17;
	v33 =	vld.idx.msk [tilespmem:v47+s14+$0x0], $0xffff;
	[tilespmem:s1+$0xC0] =	vst v34  }
0x5d: {  	v55 =	vor.u32 s22, v6;
	v54 =	vadd.f32 v39, v18;
	v42 =	vld.idx.msk [tilespmem:v49+s14+$0x0], $0xffff  }
0x5e: {  	v57 =	vor.u32 s20, v6;
	[tilespmem:s1+$0x140] =	vst v29;
	v38 =	vadd.f32 v50, v22;
	v29 =	vld.idx.msk [tilespmem:v53+s14+$0x0], $0xffff  }
0x5f: {  	v43 =	vor.u32 s10, v6;
	v58 =	vor.u32 s3, v6;
	[tilespmem:s1+$0xFFFFFE40] =	vst v54;
	v36 =	vld.idx.msk [tilespmem:v51+s14+$0x0], $0xffff;
	v31 =	vadd.f32 v31, v24  }
0x60: {  	s0 =	simm.s32 $0xE;
	v60 =	vor.u32 s8, v6;
	v44 =	vor.u32 s17, v6;
	v40 =	vld.idx.msk [tilespmem:v52+s14+$0x0], $0xffff;
	v30 =	vadd.f32 v30, v23;
	[tilespmem:s1+$0xFFFFFED0] =	vst v38  }
0x61: {  	v62 =	vor.u32 s0, v0;
	v37 =	vor.u32 s20, v7;
	v59 =	vadd.f32 v41, v21;
	[tilespmem:s1+$0x1D0] =	vst v31;
	v47 =	vld.idx.msk [tilespmem:v56+s14+$0x0], $0xffff  }
0x62: {  	v35 =	vor.u32 s8, v7;
	v48 =	vor.u32 s7, v6;
	v46 =	vld.idx.msk [tilespmem:v55+s14+$0x0], $0xffff;
	[tilespmem:s1+$0xFFFFFF50] =	vst v30;
	v30 =	vadd.f32 v33, v19  }
0x63: {  	v45 =	vor.u32 s6, v7;
	v32 =	vor.u32 s17, v7;
	[tilespmem:s1+$0xFFFFFFD0] =	vst v59;
	v50 =	vld.idx.msk [tilespmem:v57+s14+$0x0], $0xffff;
	v61 =	vadd.f32 v42, v20  }
0x64: {  	v34 =	vor.u32 s3, v7;
	v53 =	vmov s26;
	v51 =	vld.idx.msk [tilespmem:v43+s14+$0x0], $0xffff;
	[tilespmem:s1+$0x50] =	vst v30  }
0x65: {  	v54 =	vmov s28;
	v52 =	vor.u32 s22, v7;
	v30 =	vadd.f32 v36, v17;
	v38 =	vld.idx.msk [tilespmem:v58+s14+$0x0], $0xffff;
	[tilespmem:s1+$0xD0] =	vst v61  }
0x66: {  	v49 =	vmov s30;
	v31 =	vmov s25;
	v40 =	vadd.f32 v40, v18;
	v39 =	vld.idx.msk [tilespmem:v60+s14+$0x0], $0xffff  }
0x67: {  	v33 =	vor.u32 s10, v7;
	v55 =	vmov s29;
	[tilespmem:s1+$0x150] =	vst v30;
	v30 =	vld.idx.msk [tilespmem:v62+s14+$0x0], $0xffff;
	v46 =	vadd.f32 v46, v24  }
0x68: {  	v42 =	vshll.u32 v55, $0x8;
	v36 =	vor.u32 s7, v7;
	[tilespmem:s1+$0xFFFFFE50] =	vst v40;
	v63 =	vadd.f32 v47, v22;
	v41 =	vld.idx.msk [tilespmem:v48+s14+$0x0], $0xffff  }
0x69: {  	v47 =	vshll.u32 v53, $0x8;
	v40 =	vmov s0;
	v43 =	vld.idx.msk [tilespmem:v44+s14+$0x0], $0xffff;
	v50 =	vadd.f32 v50, v23;
	[tilespmem:s1+$0x1E0] =	vst v46  }
0x6a: {  	s6 =	simm.s32 $0xF;
	s7 =	simm.s32 $0x10;
	v48 =	vmov s31;
	[tilespmem:s1+$0xFFFFFEE0] =	vst v63;
	v51 =	vadd.f32 v51, v21;
	v46 =	vshll.u32 v54, $0x8;
	v44 =	vld.idx.msk [tilespmem:v52+s14+$0x0], $0xffff  }
.LBB2_3:
0x6b: {  	p0 =	slt.u32 s7, $0x38;
	v49 =	vshll.u32 v49, $0x8;
	v52 =	vmov s6;
	v45 =	vld.idx.msk [tilespmem:v45+s14+$0x0], $0xffff;
	[tilespmem:s1+$0xFFFFFF60] =	vst v50;
	v38 =	vadd.f32 v38, v19  }
0x6c: {  	v48 =	vshll.u32 v48, $0x8;
	v39 =	vadd.f32 v39, v20;
	v50 =	vshll.u32 v52, $0x8;
	v37 =	vld.idx.msk [tilespmem:v37+s14+$0x0], $0xffff;
	[tilespmem:s1+$0xFFFFFFE0] =	vst v51  }
0x6d: {  	v51 =	vor.u32 s6, v0;
	v50 =	vand.u32 $0x3800, v50;
	v33 =	vld.idx.msk [tilespmem:v33+s14+$0x0], $0xffff;
	[tilespmem:s1+$0x60] =	vst v38;
	v38 =	vadd.f32 v41, v17  }
0x6e: {  	v41 =	vand.u32 $0x3800, v47;
	v43 =	vadd.f32 v43, v18;
	v47 =	vor.u32 v50, v15;
	v34 =	vld.idx.msk [tilespmem:v34+s14+$0x0], $0xffff;
	[tilespmem:s1+$0xE0] =	vst v39  }
0x6f: {  	v40 =	vshll.u32 v40, $0x8;
	v39 =	vor.u32 v41, v14;
	v41 =	vand.u32 $0x3800, v46;
	v35 =	vld.idx.msk [tilespmem:v35+s14+$0x0], $0xffff;
	[tilespmem:s1+$0x160] =	vst v38  }
0x70: {  	v38 =	vor.u32 v41, v13;
	v41 =	vand.u32 $0x3800, v42;
	v24 =	vadd.f32 v44, v24;
	[tilespmem:s1+$0xFFFFFE60] =	vst v43;
	v36 =	vld.idx.msk [tilespmem:v36+s14+$0x0], $0xffff  }
0x71: {  	v42 =	vand.u32 $0x3800, v49;
	v41 =	vor.u32 v41, v11;
	v22 =	vadd.f32 v45, v22;
	v32 =	vld.idx.msk [tilespmem:v32+s14+$0x0], $0xffff  }
0x72: {  	v42 =	vor.u32 v42, v12;
	v43 =	vand.u32 $0x3800, v48;
	v23 =	vadd.f32 v37, v23;
	v44 =	vld.idx.msk [tilespmem:v51+s14+$0x0], $0xffff;
	[tilespmem:s1+$0x1F0] =	vst v24  }
0x73: {  	v40 =	vand.u32 $0x3800, v40;
	v37 =	vor.u32 v43, v10;
	v21 =	vadd.f32 v33, v21;
	v24 =	vld.idx.msk [tilespmem:v47+s9+$0x0], $0xffff;
	[tilespmem:s1+$0xFFFFFEF0] =	vst v22  }
0x74: {  	v31 =	vshll.u32 v31, $0x8;
	v33 =	vor.u32 v40, v9;
	v19 =	vadd.f32 v34, v19;
	v22 =	vld.idx.msk [tilespmem:v39+s9+$0x0], $0xffff;
	[tilespmem:s1+$0xFFFFFF70] =	vst v23  }
0x75: {  	v31 =	vor.u32 v8, v31;
	v20 =	vadd.f32 v35, v20;
	v23 =	vld.idx.msk [tilespmem:v38+s9+$0x0], $0xffff;
	[tilespmem:s1+$0xFFFFFFF0] =	vst v21  }
0x76: {  	v34 =	vor.u32 s7, v0;
	v17 =	vadd.f32 v36, v17;
	v21 =	vld.idx.msk [tilespmem:v41+s9+$0x0], $0xffff;
	[tilespmem:s1+$0x70] =	vst v19  }
0x77: {  	v35 =	vor.u32 s6, v1;
	v18 =	vadd.f32 v32, v18;
	v19 =	vld.idx.msk [tilespmem:v42+s9+$0x0], $0xffff;
	[tilespmem:s1+$0xF0] =	vst v20  }
0x78: {  	v32 =	vor.u32 s26, v1;
	v20 =	vld.idx.msk [tilespmem:v37+s9+$0x0], $0xffff;
	[tilespmem:s1+$0x170] =	vst v17  }
0x79: {  	v36 =	vor.u32 s28, v1;
	v17 =	vld.idx.msk [tilespmem:v33+s9+$0x0], $0xffff;
	v33 =	vadd.f32 v44, v24;
	[tilespmem:s1+$0xFFFFFE70] =	vst v18  }
0x7a: {  	v25 =	vadd.f32 v25, v22;
	s1 =	sadd.s32 $0x400, s1;
	v18 =	vld.idx.msk [tilespmem:v31+s9+$0x0], $0xffff;
	v31 =	vor.u32 s29, v1  }
0x7b: {  	v37 =	vor.u32 s30, v1;
	v26 =	vadd.f32 v26, v23;
	v34 =	vld.idx.msk [tilespmem:v34+s14+$0x0], $0xffff;
	[tilespmem:s1+$0x180] =	vst v33  }
0x7c: {  	[tilespmem:s1+$0xFFFFFE80] =	vst v25;
	v25 =	vadd.f32 v27, v21;
	v27 =	vor.u32 s31, v1;
	v33 =	vld.idx.msk [tilespmem:v35+s14+$0x0], $0xffff  }
0x7d: {  	v32 =	vld.idx.msk [tilespmem:v32+s14+$0x0], $0xffff;
	[tilespmem:s1+$0xFFFFFF00] =	vst v26;
	v26 =	vadd.f32 v28, v19;
	v28 =	vor.u32 s0, v1  }
0x7e: {  	s3 =	sadd.s32 $0x1, s7;
	v35 =	vor.u32 s25, v1;
	v36 =	vld.idx.msk [tilespmem:v36+s14+$0x0], $0xffff;
	[tilespmem:s1+$0xFFFFFF80] =	vst v25;
	v25 =	vadd.f32 v29, v20  }
0x7f: {  	v29 =	vor.u32 s3, v0;
	v31 =	vld.idx.msk [tilespmem:v31+s14+$0x0], $0xffff;
	[tilespmem:s1+$0x0] =	vst v26;
	v26 =	vadd.f32 v30, v17  }
0x80: {  	v38 =	vor.u32 s6, v2;
	v30 =	vadd.f32 v16, v18;
	v37 =	vld.idx.msk [tilespmem:v37+s14+$0x0], $0xffff;
	[tilespmem:s1+$0x80] =	vst v25  }
0x81: {  	v39 =	vor.u32 s26, v2;
	v16 =	vmov v34;
	v27 =	vld.idx.msk [tilespmem:v27+s14+$0x0], $0xffff;
	[tilespmem:s1+$0x100] =	vst v26  }
0x82: {  	v26 =	vor.u32 s28, v2;
	[tilespmem:s1+$0xFFFFFE00] =	vst v30;
	v28 =	vld.idx.msk [tilespmem:v28+s14+$0x0], $0xffff;
	v30 =	vadd.f32 v33, v24  }
0x83: {  	v34 =	vor.u32 s29, v2;
	v32 =	vadd.f32 v32, v22;
	v33 =	vld.idx.msk [tilespmem:v35+s14+$0x0], $0xffff  }
0x84: {  	v35 =	vor.u32 s30, v2;
	v25 =	vld.idx.msk [tilespmem:v29+s14+$0x0], $0xffff;
	v29 =	vadd.f32 v36, v23;
	[tilespmem:s1+$0x190] =	vst v30  }
0x85: {  	v30 =	vadd.f32 v31, v21;
	v31 =	vor.u32 s31, v2;
	[tilespmem:s1+$0xFFFFFE90] =	vst v32;
	v32 =	vld.idx.msk [tilespmem:v38+s14+$0x0], $0xffff  }
0x86: {  	v36 =	vld.idx.msk [tilespmem:v39+s14+$0x0], $0xffff;
	[tilespmem:s1+$0xFFFFFF10] =	vst v29;
	v29 =	vadd.f32 v37, v19;
	v37 =	vor.u32 s0, v2  }
0x87: {  	s8 =	sadd.s32 $0x2, s7;
	v38 =	vor.u32 s25, v2;
	v39 =	vld.idx.msk [tilespmem:v26+s14+$0x0], $0xffff;
	[tilespmem:s1+$0xFFFFFF90] =	vst v30;
	v26 =	vadd.f32 v27, v20  }
0x88: {  	v27 =	vor.u32 s8, v0;
	v28 =	vadd.f32 v28, v17;
	v30 =	vld.idx.msk [tilespmem:v34+s14+$0x0], $0xffff;
	[tilespmem:s1+$0x10] =	vst v29  }
0x89: {  	v29 =	vadd.f32 v33, v18;
	v34 =	vor.u32 s6, v3;
	v33 =	vld.idx.msk [tilespmem:v35+s14+$0x0], $0xffff;
	[tilespmem:s1+$0x90] =	vst v26  }
0x8a: {  	v35 =	vor.u32 s26, v3;
	v31 =	vld.idx.msk [tilespmem:v31+s14+$0x0], $0xffff;
	[tilespmem:s1+$0x110] =	vst v28  }
0x8b: {  	v28 =	vor.u32 s28, v3;
	v32 =	vadd.f32 v32, v24;
	[tilespmem:s1+$0xFFFFFE10] =	vst v29;
	v29 =	vld.idx.msk [tilespmem:v37+s14+$0x0], $0xffff  }
0x8c: {  	v36 =	vadd.f32 v36, v22;
	v37 =	vld.idx.msk [tilespmem:v38+s14+$0x0], $0xffff;
	v38 =	vor.u32 s29, v3  }
0x8d: {  	v26 =	vld.idx.msk [tilespmem:v27+s14+$0x0], $0xffff;
	v27 =	vadd.f32 v39, v23;
	v39 =	vor.u32 s30, v3;
	[tilespmem:s1+$0x1A0] =	vst v32  }
0x8e: {  	v30 =	vadd.f32 v30, v21;
	v32 =	vor.u32 s31, v3;
	[tilespmem:s1+$0xFFFFFEA0] =	vst v36;
	v34 =	vld.idx.msk [tilespmem:v34+s14+$0x0], $0xffff  }
0x8f: {  	v35 =	vld.idx.msk [tilespmem:v35+s14+$0x0], $0xffff;
	[tilespmem:s1+$0xFFFFFF20] =	vst v27;
	v27 =	vadd.f32 v33, v19;
	v33 =	vor.u32 s0, v3  }
0x90: {  	s10 =	sadd.s32 $0x3, s7;
	v36 =	vor.u32 s25, v3;
	v28 =	vld.idx.msk [tilespmem:v28+s14+$0x0], $0xffff;
	[tilespmem:s1+$0xFFFFFFA0] =	vst v30;
	v30 =	vadd.f32 v31, v20  }
0x91: {  	v31 =	vor.u32 s10, v0;
	v38 =	vld.idx.msk [tilespmem:v38+s14+$0x0], $0xffff;
	[tilespmem:s1+$0x20] =	vst v27;
	v27 =	vadd.f32 v29, v17  }
0x92: {  	v29 =	vadd.f32 v37, v18;
	v37 =	vld.idx.msk [tilespmem:v39+s14+$0x0], $0xffff;
	[tilespmem:s1+$0xA0] =	vst v30;
	v30 =	vor.u32 s6, v4  }
0x93: {  	v39 =	vor.u32 s26, v4;
	v32 =	vld.idx.msk [tilespmem:v32+s14+$0x0], $0xffff;
	[tilespmem:s1+$0x120] =	vst v27  }
0x94: {  	v34 =	vadd.f32 v34, v24;
	[tilespmem:s1+$0xFFFFFE20] =	vst v29;
	v29 =	vor.u32 s28, v4;
	v33 =	vld.idx.msk [tilespmem:v33+s14+$0x0], $0xffff  }
0x95: {  	v40 =	vor.u32 s29, v4;
	v35 =	vadd.f32 v35, v22;
	v36 =	vld.idx.msk [tilespmem:v36+s14+$0x0], $0xffff  }
0x96: {  	v28 =	vadd.f32 v28, v23;
	v27 =	vld.idx.msk [tilespmem:v31+s14+$0x0], $0xffff;
	v31 =	vor.u32 s30, v4;
	[tilespmem:s1+$0x1B0] =	vst v34  }
0x97: {  	v34 =	vadd.f32 v38, v21;
	[tilespmem:s1+$0xFFFFFEB0] =	vst v35;
	v35 =	vor.u32 s31, v4;
	v30 =	vld.idx.msk [tilespmem:v30+s14+$0x0], $0xffff  }
0x98: {  	v38 =	vld.idx.msk [tilespmem:v39+s14+$0x0], $0xffff;
	[tilespmem:s1+$0xFFFFFF30] =	vst v28;
	v28 =	vadd.f32 v37, v19;
	v37 =	vor.u32 s0, v4  }
0x99: {  	s20 =	sadd.s32 $0x4, s7;
	v39 =	vor.u32 s25, v4;
	v32 =	vadd.f32 v32, v20;
	v29 =	vld.idx.msk [tilespmem:v29+s14+$0x0], $0xffff;
	[tilespmem:s1+$0xFFFFFFB0] =	vst v34  }
0x9a: {  	v34 =	vor.u32 s20, v0;
	v40 =	vld.idx.msk [tilespmem:v40+s14+$0x0], $0xffff;
	[tilespmem:s1+$0x30] =	vst v28;
	v28 =	vadd.f32 v33, v17  }
0x9b: {  	v33 =	vadd.f32 v36, v18;
	v31 =	vld.idx.msk [tilespmem:v31+s14+$0x0], $0xffff;
	[tilespmem:s1+$0xB0] =	vst v32;
	v32 =	vor.u32 s6, v5  }
0x9c: {  	v36 =	vor.u32 s26, v5;
	v35 =	vld.idx.msk [tilespmem:v35+s14+$0x0], $0xffff;
	[tilespmem:s1+$0x130] =	vst v28  }
0x9d: {  	v30 =	vadd.f32 v30, v24;
	[tilespmem:s1+$0xFFFFFE30] =	vst v33;
	v33 =	vor.u32 s28, v5;
	v37 =	vld.idx.msk [tilespmem:v37+s14+$0x0], $0xffff  }
0x9e: {  	v41 =	vor.u32 s29, v5;
	v38 =	vadd.f32 v38, v22;
	v39 =	vld.idx.msk [tilespmem:v39+s14+$0x0], $0xffff  }
0x9f: {  	v29 =	vadd.f32 v29, v23;
	v28 =	vld.idx.msk [tilespmem:v34+s14+$0x0], $0xffff;
	v34 =	vor.u32 s30, v5;
	[tilespmem:s1+$0x1C0] =	vst v30  }
0xa0: {  	v30 =	vadd.f32 v40, v21;
	[tilespmem:s1+$0xFFFFFEC0] =	vst v38;
	v38 =	vor.u32 s31, v5;
	v32 =	vld.idx.msk [tilespmem:v32+s14+$0x0], $0xffff  }
0xa1: {  	v36 =	vld.idx.msk [tilespmem:v36+s14+$0x0], $0xffff;
	[tilespmem:s1+$0xFFFFFF40] =	vst v29;
	v29 =	vadd.f32 v31, v19;
	v31 =	vor.u32 s0, v5  }
0xa2: {  	s22 =	sadd.s32 $0x5, s7;
	v40 =	vor.u32 s25, v5;
	v33 =	vld.idx.msk [tilespmem:v33+s14+$0x0], $0xffff;
	[tilespmem:s1+$0xFFFFFFC0] =	vst v30;
	v30 =	vadd.f32 v35, v20  }
0xa3: {  	v35 =	vor.u32 s22, v0;
	v41 =	vld.idx.msk [tilespmem:v41+s14+$0x0], $0xffff;
	[tilespmem:s1+$0x40] =	vst v29;
	v29 =	vadd.f32 v37, v17  }
0xa4: {  	v37 =	vadd.f32 v39, v18;
	v34 =	vld.idx.msk [tilespmem:v34+s14+$0x0], $0xffff;
	[tilespmem:s1+$0xC0] =	vst v30;
	v30 =	vor.u32 s6, v6  }
0xa5: {  	v39 =	vor.u32 s26, v6;
	v38 =	vld.idx.msk [tilespmem:v38+s14+$0x0], $0xffff;
	[tilespmem:s1+$0x140] =	vst v29  }
0xa6: {  	[tilespmem:s1+$0xFFFFFE40] =	vst v37;
	v37 =	vor.u32 s28, v6;
	v42 =	vld.idx.msk [tilespmem:v31+s14+$0x0], $0xffff;
	v31 =	vadd.f32 v32, v24  }
0xa7: {  	v53 =	vor.u32 s6, v7;
	v43 =	vor.u32 s29, v6;
	v36 =	vadd.f32 v36, v22;
	v40 =	vld.idx.msk [tilespmem:v40+s14+$0x0], $0xffff  }
0xa8: {  	v32 =	vor.u32 s25, v7;
	v33 =	vadd.f32 v33, v23;
	v29 =	vld.idx.msk [tilespmem:v35+s14+$0x0], $0xffff;
	v35 =	vor.u32 s30, v6;
	[tilespmem:s1+$0x1D0] =	vst v31  }
0xa9: {  	v44 =	vor.u32 s25, v6;
	s25 =	smov.u32 s7;
	[tilespmem:s1+$0xFFFFFED0] =	vst v36;
	v36 =	vadd.f32 v41, v21;
	v41 =	vor.u32 s31, v6;
	v30 =	vld.idx.msk [tilespmem:v30+s14+$0x0], $0xffff  }
0xaa: {  	v47 =	vor.u32 s0, v6;
	v31 =	vmov s7;
	v34 =	vadd.f32 v34, v19;
	v46 =	vld.idx.msk [tilespmem:v39+s14+$0x0], $0xffff;
	[tilespmem:s1+$0xFFFFFF50] =	vst v33  }
0xab: {  	s17 =	sadd.s32 $0x6, s7;
	v33 =	vor.u32 s29, v7;
	s29 =	smov.u32 s10;
	v50 =	vld.idx.msk [tilespmem:v37+s14+$0x0], $0xffff;
	v37 =	vor.u32 s28, v7;
	[tilespmem:s1+$0xFFFFFFD0] =	vst v36;
	v36 =	vadd.f32 v38, v20;
	s28 =	smov.u32 s8  }
0xac: {  	v51 =	vor.u32 s17, v0;
	v42 =	vadd.f32 v42, v17;
	v52 =	vld.idx.msk [tilespmem:v43+s14+$0x0], $0xffff;
	[tilespmem:s1+$0x50] =	vst v34;
	v34 =	vor.u32 s30, v7;
	s30 =	smov.u32 s20  }
0xad: {  	v54 =	vmov s3;
	v40 =	vadd.f32 v40, v18;
	v38 =	vld.idx.msk [tilespmem:v35+s14+$0x0], $0xffff;
	[tilespmem:s1+$0xD0] =	vst v36;
	v35 =	vor.u32 s31, v7;
	s31 =	smov.u32 s22  }
.Ltmp0:
0xae: {  	v45 =	vor.u32 s26, v7;
	s26 =	smov.u32 s3;
	v36 =	vor.u32 s0, v7;
	s0 =	smov.u32 s17;
	v39 =	vld.idx.msk [tilespmem:v41+s14+$0x0], $0xffff;
	[tilespmem:s1+$0x150] =	vst v42;
	(pc) =	sbr.rel @p0 .LBB2_3-.Ltmp0, $4  }
0xaf: {  	v55 =	vmov s29;
	v42 =	vmov s28;
	v56 =	vadd.f32 v30, v24;
	[tilespmem:s1+$0xFFFFFE50] =	vst v40;
	v41 =	vld.idx.msk [tilespmem:v47+s14+$0x0], $0xffff  }
0xb0: {  	v49 =	vmov s30;
	v48 =	vmov s31;
	v43 =	vld.idx.msk [tilespmem:v44+s14+$0x0], $0xffff;
	v44 =	vadd.f32 v46, v22  }
0xb1: {  	v47 =	vshll.u32 v54, $0x8;
	v40 =	vmov s0;
	v50 =	vadd.f32 v50, v23;
	v30 =	vld.idx.msk [tilespmem:v51+s14+$0x0], $0xffff;
	[tilespmem:s1+$0x1E0] =	vst v56  }
0xb2: {  	s6 =	sadd.s32 $0x7, s25;
	s7 =	sadd.s32 $0x8, s7;
	v46 =	vshll.u32 v42, $0x8;
	v42 =	vshll.u32 v55, $0x8;
	v51 =	vadd.f32 v52, v21;
	[tilespmem:s1+$0xFFFFFEE0] =	vst v44;
	v44 =	vld.idx.msk [tilespmem:v53+s14+$0x0], $0xffff  }
0xb3: {  	_ =	sdelay $0x3  }
0xb4: {  	v49 =	vshll.u32 v49, $0x8;
	v52 =	vmov s6;
	v45 =	vld.idx.msk [tilespmem:v45+s14+$0x0], $0xffff;
	[tilespmem:s1+$0xFFFFFF60] =	vst v50;
	v38 =	vadd.f32 v38, v19  }
0xb5: {  	v48 =	vshll.u32 v48, $0x8;
	v39 =	vadd.f32 v39, v20;
	v59 =	vshll.u32 v52, $0x8;
	v37 =	vld.idx.msk [tilespmem:v37+s14+$0x0], $0xffff;
	[tilespmem:s1+$0xFFFFFFE0] =	vst v51  }
0xb6: {  	v60 =	vor.u32 s6, v0;
	v61 =	vadd.f32 v41, v17;
	v50 =	vand.u32 $0x3800, v59;
	v33 =	vld.idx.msk [tilespmem:v33+s14+$0x0], $0xffff;
	[tilespmem:s1+$0x60] =	vst v38  }
0xb7: {  	v62 =	vand.u32 $0x3800, v47;
	v43 =	vadd.f32 v43, v18;
	[tilespmem:s1+$0xE0] =	vst v39;
	v15 =	vor.u32 v50, v15;
	v34 =	vld.idx.msk [tilespmem:v34+s14+$0x0], $0xffff  }
0xb8: {  	v63 =	vand.u32 $0x3800, v46;
	v40 =	vshll.u32 v40, $0x8;
	v14 =	vor.u32 v62, v14;
	v35 =	vld.idx.msk [tilespmem:v35+s14+$0x0], $0xffff;
	[tilespmem:s1+$0x160] =	vst v61  }
0xb9: {  	v42 =	vand.u32 $0x3800, v42;
	v13 =	vor.u32 v63, v13;
	[tilespmem:s1+$0xFFFFFE60] =	vst v43;
	v36 =	vld.idx.msk [tilespmem:v36+s14+$0x0], $0xffff;
	v24 =	vadd.f32 v44, v24  }
0xba: {  	v38 =	vor.u32 v42, v11;
	v11 =	vand.u32 $0x3800, v49;
	v32 =	vld.idx.msk [tilespmem:v32+s14+$0x0], $0xffff;
	v22 =	vadd.f32 v45, v22  }
0xbb: {  	v12 =	vor.u32 v11, v12;
	v11 =	vand.u32 $0x3800, v48;
	v46 =	vld.idx.msk [tilespmem:v60+s14+$0x0], $0xffff;
	v23 =	vadd.f32 v37, v23;
	[tilespmem:s1+$0x1F0] =	vst v24  }
0xbc: {  	v47 =	vand.u32 $0x3800, v40;
	v24 =	vor.u32 v11, v10;
	[tilespmem:s1+$0xFFFFFEF0] =	vst v22;
	v10 =	vld.idx.msk [tilespmem:v15+s9+$0x0], $0xffff;
	v15 =	vadd.f32 v33, v21  }
0xbd: {  	v11 =	vld.idx.msk [tilespmem:v14+s9+$0x0], $0xffff;
	v14 =	vor.u32 v47, v9;
	v21 =	vshll.u32 v31, $0x8;
	[tilespmem:s1+$0xFFFFFF70] =	vst v23;
	v19 =	vadd.f32 v34, v19  }
0xbe: {  	v21 =	vor.u32 v8, v21;
	v8 =	vld.idx.msk [tilespmem:v13+s9+$0x0], $0xffff;
	v13 =	vadd.f32 v35, v20;
	[tilespmem:s1+$0xFFFFFFF0] =	vst v15  }
0xbf: {  	v9 =	vld.idx.msk [tilespmem:v38+s9+$0x0], $0xffff;
	[tilespmem:s1+$0x70] =	vst v19;
	v15 =	vadd.f32 v36, v17;
	v17 =	vor.u32 s6, v1  }
0xc0: {  	v12 =	vld.idx.msk [tilespmem:v12+s9+$0x0], $0xffff;
	v18 =	vadd.f32 v32, v18;
	v19 =	vor.u32 s26, v1;
	[tilespmem:s1+$0xF0] =	vst v13  }
0xc1: {  	v20 =	vor.u32 s28, v1;
	v13 =	vld.idx.msk [tilespmem:v24+s9+$0x0], $0xffff;
	[tilespmem:s1+$0x170] =	vst v15;
	v22 =	vadd.f32 v46, v10  }
0xc2: {  	s22 =	sadd.s32 $0x400, s1;
	v23 =	vor.u32 s29, v1;
	v14 =	vld.idx.msk [tilespmem:v14+s9+$0x0], $0xffff;
	[tilespmem:s1+$0xFFFFFE70] =	vst v18;
	v18 =	vadd.f32 v25, v11  }
0xc3: {  	v24 =	vor.u32 s30, v1;
	v15 =	vld.idx.msk [tilespmem:v21+s9+$0x0], $0xffff;
	v21 =	vadd.f32 v26, v8;
	[tilespmem:s22+$0x180] =	vst v22  }
0xc4: {  	[tilespmem:s22+$0xFFFFFE80] =	vst v18;
	v18 =	vadd.f32 v27, v9;
	v22 =	vor.u32 s31, v1;
	v17 =	vld.idx.msk [tilespmem:v17+s14+$0x0], $0xffff  }
0xc5: {  	v25 =	vor.u32 s0, v1;
	v19 =	vld.idx.msk [tilespmem:v19+s14+$0x0], $0xffff;
	[tilespmem:s22+$0xFFFFFF00] =	vst v21;
	v21 =	vadd.f32 v28, v12  }
0xc6: {  	v26 =	vor.u32 s25, v1;
	[tilespmem:s22+$0xFFFFFF80] =	vst v18;
	v18 =	vadd.f32 v29, v13;
	v20 =	vld.idx.msk [tilespmem:v20+s14+$0x0], $0xffff  }
0xc7: {  	v27 =	vor.u32 s6, v2;
	v23 =	vld.idx.msk [tilespmem:v23+s14+$0x0], $0xffff;
	[tilespmem:s22+$0x0] =	vst v21;
	v21 =	vadd.f32 v30, v14  }
0xc8: {  	[tilespmem:s22+$0x80] =	vst v18;
	v18 =	vor.u32 s26, v2;
	v16 =	vadd.f32 v16, v15;
	v24 =	vld.idx.msk [tilespmem:v24+s14+$0x0], $0xffff  }
0xc9: {  	v22 =	vld.idx.msk [tilespmem:v22+s14+$0x0], $0xffff;
	[tilespmem:s22+$0x100] =	vst v21;
	v21 =	vor.u32 s28, v2;
	v17 =	vadd.f32 v17, v10  }
0xca: {  	v19 =	vadd.f32 v19, v11;
	[tilespmem:s22+$0xFFFFFE00] =	vst v16;
	v16 =	vld.idx.msk [tilespmem:v25+s14+$0x0], $0xffff;
	v25 =	vor.u32 s29, v2  }
0xcb: {  	v28 =	vor.u32 s30, v2;
	v26 =	vld.idx.msk [tilespmem:v26+s14+$0x0], $0xffff;
	v20 =	vadd.f32 v20, v8;
	[tilespmem:s22+$0x190] =	vst v17  }
0xcc: {  	[tilespmem:s22+$0xFFFFFE90] =	vst v19;
	v19 =	vor.u32 s31, v2;
	v17 =	vadd.f32 v23, v9;
	v23 =	vld.idx.msk [tilespmem:v27+s14+$0x0], $0xffff  }
0xcd: {  	v18 =	vld.idx.msk [tilespmem:v18+s14+$0x0], $0xffff;
	[tilespmem:s22+$0xFFFFFF10] =	vst v20;
	v20 =	vadd.f32 v24, v12;
	v24 =	vor.u32 s0, v2  }
0xce: {  	v27 =	vor.u32 s25, v2;
	v21 =	vld.idx.msk [tilespmem:v21+s14+$0x0], $0xffff;
	[tilespmem:s22+$0xFFFFFF90] =	vst v17;
	v17 =	vadd.f32 v22, v13  }
0xcf: {  	v22 =	vld.idx.msk [tilespmem:v25+s14+$0x0], $0xffff;
	[tilespmem:s22+$0x10] =	vst v20;
	v16 =	vadd.f32 v16, v14;
	v20 =	vor.u32 s6, v3  }
0xd0: {  	v25 =	vadd.f32 v26, v15;
	v26 =	vld.idx.msk [tilespmem:v28+s14+$0x0], $0xffff;
	[tilespmem:s22+$0x90] =	vst v17;
	v17 =	vor.u32 s26, v3  }
0xd1: {  	v19 =	vld.idx.msk [tilespmem:v19+s14+$0x0], $0xffff;
	[tilespmem:s22+$0x110] =	vst v16;
	v16 =	vor.u32 s28, v3;
	v23 =	vadd.f32 v23, v10  }
0xd2: {  	v18 =	vadd.f32 v18, v11;
	[tilespmem:s22+$0xFFFFFE10] =	vst v25;
	v24 =	vld.idx.msk [tilespmem:v24+s14+$0x0], $0xffff;
	v25 =	vor.u32 s29, v3  }
0xd3: {  	v28 =	vor.u32 s30, v3;
	v27 =	vld.idx.msk [tilespmem:v27+s14+$0x0], $0xffff;
	v21 =	vadd.f32 v21, v8;
	[tilespmem:s22+$0x1A0] =	vst v23  }
0xd4: {  	[tilespmem:s22+$0xFFFFFEA0] =	vst v18;
	v18 =	vadd.f32 v22, v9;
	v22 =	vor.u32 s31, v3;
	v20 =	vld.idx.msk [tilespmem:v20+s14+$0x0], $0xffff  }
0xd5: {  	v23 =	vor.u32 s0, v3;
	v17 =	vld.idx.msk [tilespmem:v17+s14+$0x0], $0xffff;
	[tilespmem:s22+$0xFFFFFF20] =	vst v21;
	v21 =	vadd.f32 v26, v12  }
0xd6: {  	v26 =	vor.u32 s25, v3;
	v16 =	vld.idx.msk [tilespmem:v16+s14+$0x0], $0xffff;
	[tilespmem:s22+$0xFFFFFFA0] =	vst v18;
	v18 =	vadd.f32 v19, v13  }
0xd7: {  	v19 =	vld.idx.msk [tilespmem:v25+s14+$0x0], $0xffff;
	[tilespmem:s22+$0x20] =	vst v21;
	v21 =	vadd.f32 v24, v14;
	v24 =	vor.u32 s6, v4  }
0xd8: {  	v25 =	vadd.f32 v27, v15;
	v27 =	vld.idx.msk [tilespmem:v28+s14+$0x0], $0xffff;
	[tilespmem:s22+$0xA0] =	vst v18;
	v18 =	vor.u32 s26, v4  }
0xd9: {  	v22 =	vld.idx.msk [tilespmem:v22+s14+$0x0], $0xffff;
	[tilespmem:s22+$0x120] =	vst v21;
	v21 =	vor.u32 s28, v4;
	v20 =	vadd.f32 v20, v10  }
0xda: {  	[tilespmem:s22+$0xFFFFFE20] =	vst v25;
	v23 =	vld.idx.msk [tilespmem:v23+s14+$0x0], $0xffff;
	v17 =	vadd.f32 v17, v11;
	v25 =	vor.u32 s29, v4  }
0xdb: {  	v28 =	vor.u32 s30, v4;
	v26 =	vld.idx.msk [tilespmem:v26+s14+$0x0], $0xffff;
	v16 =	vadd.f32 v16, v8;
	[tilespmem:s22+$0x1B0] =	vst v20  }
0xdc: {  	[tilespmem:s22+$0xFFFFFEB0] =	vst v17;
	v17 =	vadd.f32 v19, v9;
	v19 =	vor.u32 s31, v4;
	v20 =	vld.idx.msk [tilespmem:v24+s14+$0x0], $0xffff  }
0xdd: {  	v18 =	vld.idx.msk [tilespmem:v18+s14+$0x0], $0xffff;
	[tilespmem:s22+$0xFFFFFF30] =	vst v16;
	v16 =	vadd.f32 v27, v12;
	v24 =	vor.u32 s0, v4  }
0xde: {  	v27 =	vor.u32 s25, v4;
	v21 =	vld.idx.msk [tilespmem:v21+s14+$0x0], $0xffff;
	[tilespmem:s22+$0xFFFFFFB0] =	vst v17;
	v17 =	vadd.f32 v22, v13  }
0xdf: {  	v22 =	vld.idx.msk [tilespmem:v25+s14+$0x0], $0xffff;
	[tilespmem:s22+$0x30] =	vst v16;
	v16 =	vadd.f32 v23, v14;
	v23 =	vor.u32 s6, v5  }
0xe0: {  	v25 =	vadd.f32 v26, v15;
	v26 =	vld.idx.msk [tilespmem:v28+s14+$0x0], $0xffff;
	[tilespmem:s22+$0xB0] =	vst v17;
	v17 =	vor.u32 s26, v5  }
0xe1: {  	v19 =	vld.idx.msk [tilespmem:v19+s14+$0x0], $0xffff;
	[tilespmem:s22+$0x130] =	vst v16;
	v16 =	vor.u32 s28, v5;
	v20 =	vadd.f32 v20, v10  }
0xe2: {  	[tilespmem:s22+$0xFFFFFE30] =	vst v25;
	v24 =	vld.idx.msk [tilespmem:v24+s14+$0x0], $0xffff;
	v18 =	vadd.f32 v18, v11;
	v25 =	vor.u32 s29, v5  }
0xe3: {  	v28 =	vor.u32 s30, v5;
	v27 =	vld.idx.msk [tilespmem:v27+s14+$0x0], $0xffff;
	v21 =	vadd.f32 v21, v8;
	[tilespmem:s22+$0x1C0] =	vst v20  }
0xe4: {  	[tilespmem:s22+$0xFFFFFEC0] =	vst v18;
	v18 =	vadd.f32 v22, v9;
	v20 =	vor.u32 s31, v5;
	v22 =	vld.idx.msk [tilespmem:v23+s14+$0x0], $0xffff  }
0xe5: {  	v17 =	vld.idx.msk [tilespmem:v17+s14+$0x0], $0xffff;
	[tilespmem:s22+$0xFFFFFF40] =	vst v21;
	v21 =	vadd.f32 v26, v12;
	v23 =	vor.u32 s0, v5  }
0xe6: {  	v26 =	vor.u32 s25, v5;
	v16 =	vld.idx.msk [tilespmem:v16+s14+$0x0], $0xffff;
	[tilespmem:s22+$0xFFFFFFC0] =	vst v18;
	v18 =	vadd.f32 v19, v13  }
0xe7: {  	v19 =	vld.idx.msk [tilespmem:v25+s14+$0x0], $0xffff;
	[tilespmem:s22+$0x40] =	vst v21;
	v21 =	vadd.f32 v24, v14;
	v24 =	vor.u32 s6, v6  }
0xe8: {  	v25 =	vadd.f32 v27, v15;
	v27 =	vld.idx.msk [tilespmem:v28+s14+$0x0], $0xffff;
	[tilespmem:s22+$0xC0] =	vst v18;
	v18 =	vor.u32 s26, v6  }
0xe9: {  	v20 =	vld.idx.msk [tilespmem:v20+s14+$0x0], $0xffff;
	[tilespmem:s22+$0x140] =	vst v21;
	v21 =	vor.u32 s28, v6;
	v22 =	vadd.f32 v22, v10  }
0xea: {  	[tilespmem:s22+$0xFFFFFE40] =	vst v25;
	v23 =	vld.idx.msk [tilespmem:v23+s14+$0x0], $0xffff;
	v17 =	vadd.f32 v17, v11;
	v25 =	vor.u32 s29, v6  }
0xeb: {  	v28 =	vor.u32 s30, v6;
	v26 =	vld.idx.msk [tilespmem:v26+s14+$0x0], $0xffff;
	v16 =	vadd.f32 v16, v8;
	[tilespmem:s22+$0x1D0] =	vst v22  }
0xec: {  	[tilespmem:s22+$0xFFFFFED0] =	vst v17;
	v17 =	vadd.f32 v19, v9;
	v19 =	vor.u32 s31, v6;
	v22 =	vld.idx.msk [tilespmem:v24+s14+$0x0], $0xffff  }
0xed: {  	v18 =	vld.idx.msk [tilespmem:v18+s14+$0x0], $0xffff;
	[tilespmem:s22+$0xFFFFFF50] =	vst v16;
	v16 =	vadd.f32 v27, v12;
	v24 =	vor.u32 s0, v6  }
0xee: {  	v27 =	vor.u32 s25, v6;
	v21 =	vld.idx.msk [tilespmem:v21+s14+$0x0], $0xffff;
	[tilespmem:s22+$0xFFFFFFD0] =	vst v17;
	v17 =	vadd.f32 v20, v13  }
0xef: {  	v20 =	vld.idx.msk [tilespmem:v25+s14+$0x0], $0xffff;
	[tilespmem:s22+$0x50] =	vst v16;
	v16 =	vadd.f32 v23, v14;
	v23 =	vor.u32 s6, v7  }
0xf0: {  	v25 =	vadd.f32 v26, v15;
	v26 =	vld.idx.msk [tilespmem:v28+s14+$0x0], $0xffff;
	[tilespmem:s22+$0xD0] =	vst v17;
	v17 =	vor.u32 s26, v7  }
0xf1: {  	v28 =	vor.u32 s28, v7;
	v19 =	vld.idx.msk [tilespmem:v19+s14+$0x0], $0xffff;
	[tilespmem:s22+$0x150] =	vst v16;
	v16 =	vadd.f32 v22, v10  }
0xf2: {  	v22 =	vor.u32 s29, v7;
	[tilespmem:s22+$0xFFFFFE50] =	vst v25;
	v24 =	vld.idx.msk [tilespmem:v24+s14+$0x0], $0xffff;
	v18 =	vadd.f32 v18, v11  }
0xf3: {  	v25 =	vor.u32 s30, v7;
	v27 =	vld.idx.msk [tilespmem:v27+s14+$0x0], $0xffff;
	v21 =	vadd.f32 v21, v8;
	[tilespmem:s22+$0x1E0] =	vst v16  }
0xf4: {  	v16 =	vor.u32 s31, v7;
	[tilespmem:s22+$0xFFFFFEE0] =	vst v18;
	v18 =	vadd.f32 v20, v9;
	v20 =	vld.idx.msk [tilespmem:v23+s14+$0x0], $0xffff  }
0xf5: {  	v23 =	vor.u32 s0, v7;
	v17 =	vld.idx.msk [tilespmem:v17+s14+$0x0], $0xffff;
	[tilespmem:s22+$0xFFFFFF60] =	vst v21;
	v21 =	vadd.f32 v26, v12  }
0xf6: {  	v26 =	vor.u32 s25, v7;
	v28 =	vld.idx.msk [tilespmem:v28+s14+$0x0], $0xffff;
	[tilespmem:s22+$0xFFFFFFE0] =	vst v18;
	v18 =	vadd.f32 v19, v13  }
0xf7: {  	v19 =	vld.idx.msk [tilespmem:v22+s14+$0x0], $0xffff;
	[tilespmem:s22+$0x60] =	vst v21;
	v21 =	vadd.f32 v24, v14  }
0xf8: {  	v22 =	vadd.f32 v27, v15;
	v24 =	vld.idx.msk [tilespmem:v25+s14+$0x0], $0xffff;
	[tilespmem:s22+$0xE0] =	vst v18  }
0xf9: {  	v16 =	vld.idx.msk [tilespmem:v16+s14+$0x0], $0xffff;
	[tilespmem:s22+$0x160] =	vst v21;
	v10 =	vadd.f32 v20, v10  }
0xfa: {  	[tilespmem:s22+$0xFFFFFE60] =	vst v22;
	v18 =	vld.idx.msk [tilespmem:v23+s14+$0x0], $0xffff;
	v11 =	vadd.f32 v17, v11  }
0xfb: {  	v17 =	vld.idx.msk [tilespmem:v26+s14+$0x0], $0xffff;
	v8 =	vadd.f32 v28, v8;
	[tilespmem:s22+$0x1F0] =	vst v10  }
0xfc: {  	[tilespmem:s22+$0xFFFFFEF0] =	vst v11;
	v9 =	vadd.f32 v19, v9  }
0xfd: {  	[tilespmem:s22+$0xFFFFFF70] =	vst v8;
	v8 =	vadd.f32 v24, v12  }
0xfe: {  	[tilespmem:s22+$0xFFFFFFF0] =	vst v9;
	v9 =	vadd.f32 v16, v13  }
0xff: {  	p0 =	seq.s32 s23, $0x63;
	s10 =	simm.s32 $0x2;
	s25 =	sshll.u32 s23, $0x13;
	[tilespmem:s22+$0x70] =	vst v8;
	v8 =	vadd.f32 v18, v14  }
0x100: {  	s17 =	simm.s32 $0x4;
	s8 =	simm.s32 $0x5;
	s0 =	sor.u32 s4, s25;
	v10 =	vadd.f32 v17, v15;
	[tilespmem:s22+$0xF0] =	vst v9  }
0x101: {  	s7 =	simm.s32 $0x6;
	s20 =	simm.s32 $0x7;
	s0 =	sshrl.u32 s0, $0x3;
	[tilespmem:s22+$0x170] =	vst v8  }
0x102: {  	p1 =	seq.s32 @!p0 s23, $0x0;
	s26 =	simm.s32 $0x12400;
	s0 =	sadd.s32 s2, s0;
	[tilespmem:s22+$0xFFFFFE70] =	vst v10  }
0x103: {  	[hbm4b:s0+s11] =	stream.strided.scatter [tilespmem:s26], [sflag:$0x3], $0x2000, s12, s11, $0x38;
	[tilespmem:$0x16400] =	vst v63  }
0x104: {  	s3 =	simm.s32 @!p0 $0xA400;
	s0 =	sshll.u32 @!p0 s23, $0x8;
	_ =	swait.ge [sflag:s18], $0x4000  }
0x105: {  	s1 =	simm.s32 @!p0 $0x80;
	v30 =	vor.u32 s20, v0;
	v27 =	vmov s20;
	v21 =	vor.u32 s8, v0;
	s0 =	sand.u32 @!p0 $0x3FFFFF00, s0;
	[sflag:s18] =	ssyncset.done $0x0  }
0x106: {  	s6 =	simm.s32 $0x1;
	v27 =	vshll.u32 v27, $0x8;
	v20 =	vor.u32 s17, v0;
	v22 =	vor.u32 s7, v0;
	s0 =	sadd.s32 @!p0 $0x100, s0;
	[sflag:s18] =	ssyncadd.s32 $0xFFFFC000  }
0x107: {  	v23 =	vmov s6;
	v17 =	vor.u32 s6, v0;
	v8 =	vmov s24;
	[tilespmem:s3], [sflag:$0x1] =	stream.indirect.gather @!p0 [hbm4b:s5+s1], $0x80, s0, s1, $0xb8;
	[tilespmem:$0x16400] =	vst v63  }
0x108: {  	v27 =	vand.u32 $0x3800, v27;
	v18 =	vor.u32 s10, v0;
	v9 =	vshll.u32 v8, $0x3;
	s22 =	simm.s32 $0x3;
	p0 =	por p0, !p1  }
0x109: {  	v8 =	vand.u32 $0x7F, v8;
	v9 =	vand.u32 $0x400, v9;
	v19 =	vor.u32 s22, v0;
	_ =	swait.ge @p0 [sflag:s21], $0x2000  }
0x10a: {  	v26 =	vmov s17;
	v23 =	vshll.u32 v23, $0x8;
	v8 =	vor.u32 v8, v9;
	[sflag:s21] =	ssyncset.done @p0 $0x0  }
0x10b: {  	v23 =	vand.u32 $0x3800, v23;
	v24 =	vmov s10;
	v14 =	vor.u32 $0x80, v8;
	s3 =	simm.s32 $0x0;
	[sflag:s21] =	ssyncadd.s32 @p0 $0xFFFFE000  }
0x10c: {  	v13 =	vor.u32 $0x100, v8;
	v12 =	vor.u32 $0x180, v8;
	v16 =	vor.u32 s3, v0;
	v28 =	vld.idx.msk [tilespmem:v17+s16+$0x0], $0xffff  }
0x10d: {  	v11 =	vor.u32 $0x200, v8;
	v10 =	vor.u32 $0x280, v8;
	v9 =	vor.u32 $0x300, v8;
	v29 =	vld.idx.msk [tilespmem:v18+s16+$0x0], $0xffff  }
0x10e: {  	v15 =	vor.u32 $0x380, v8;
	v17 =	vmov s8;
	v18 =	vmov s7;
	v31 =	vld.idx.msk [tilespmem:v19+s16+$0x0], $0xffff  }
0x10f: {  	v19 =	vshll.u32 v24, $0x8;
	v24 =	vor.u32 v27, v15;
	v27 =	vld.idx.msk [tilespmem:v20+s16+$0x0], $0xffff;
	v20 =	vor.u32 v23, v14  }
0x110: {  	v48 =	vld.idx.msk [tilespmem:v21+s16+$0x0], $0xffff;
	v21 =	vshll.u32 v26, $0x8;
	v19 =	vand.u32 $0x3800, v19;
	v17 =	vshll.u32 v17, $0x8  }
0x111: {  	v21 =	vand.u32 $0x3800, v21;
	v25 =	vld.idx.msk [tilespmem:v16+s16+$0x0], $0xffff;
	v16 =	vmov s22;
	v19 =	vor.u32 v19, v13  }
0x112: {  	v26 =	vld.idx.msk [tilespmem:v22+s16+$0x0], $0xffff;
	v49 =	vor.u32 v21, v11;
	v17 =	vand.u32 $0x3800, v17;
	v16 =	vshll.u32 v16, $0x8  }
0x113: {  	v30 =	vld.idx.msk [tilespmem:v30+s16+$0x0], $0xffff;
	v18 =	vshll.u32 v18, $0x8;
	v17 =	vor.u32 v17, v10;
	v16 =	vand.u32 $0x3800, v16  }
0x114: {  	v21 =	vmov s3;
	v18 =	vand.u32 $0x3800, v18;
	v16 =	vor.u32 v16, v12;
	v24 =	vld.idx.msk [tilespmem:v24+s9+$0x0], $0xffff  }
0x115: {  	v21 =	vshll.u32 v21, $0x8;
	v18 =	vor.u32 v18, v9;
	v22 =	vld.idx.msk [tilespmem:v20+s9+$0x0], $0xffff  }
0x116: {  	s25 =	simm.s32 $0x8;
	v50 =	vor.u32 v8, v21;
	v23 =	vld.idx.msk [tilespmem:v19+s9+$0x0], $0xffff  }
0x117: {  	v51 =	vor.u32 s25, v0;
	v19 =	vld.idx.msk [tilespmem:v49+s9+$0x0], $0xffff  }
0x118: {  	v53 =	vor.u32 s6, v1;
	v20 =	vld.idx.msk [tilespmem:v17+s9+$0x0], $0xffff  }
0x119: {  	v52 =	vor.u32 s20, v1;
	v21 =	vld.idx.msk [tilespmem:v16+s9+$0x0], $0xffff;
	v30 =	vadd.f32 v30, v24  }
0x11a: {  	v54 =	vor.u32 s10, v1;
	s1 =	simm.s32 $0x14600;
	v17 =	vld.idx.msk [tilespmem:v18+s9+$0x0], $0xffff;
	v28 =	vadd.f32 v28, v22  }
0x11b: {  	v56 =	vor.u32 s17, v1;
	v18 =	vld.idx.msk [tilespmem:v50+s9+$0x0], $0xffff;
	v29 =	vadd.f32 v29, v23;
	[tilespmem:s1+$0x180] =	vst v30  }
0x11c: {  	v55 =	vor.u32 s22, v1;
	v16 =	vld.idx.msk [tilespmem:v51+s16+$0x0], $0xffff;
	[tilespmem:s1+$0xFFFFFE80] =	vst v28  }
0x11d: {  	v27 =	vadd.f32 v27, v19;
	v57 =	vld.idx.msk [tilespmem:v53+s16+$0x0], $0xffff;
	[tilespmem:s1+$0xFFFFFF00] =	vst v29;
	v29 =	vor.u32 s7, v1  }
0x11e: {  	v58 =	vor.u32 s3, v1;
	v28 =	vadd.f32 v31, v21;
	v31 =	vld.idx.msk [tilespmem:v52+s16+$0x0], $0xffff  }
0x11f: {  	s26 =	simm.s32 $0x9;
	v30 =	vor.u32 s8, v1;
	v26 =	vadd.f32 v26, v17;
	[tilespmem:s1+$0x0] =	vst v27;
	v37 =	vld.idx.msk [tilespmem:v54+s16+$0x0], $0xffff  }
0x120: {  	v59 =	vor.u32 s26, v0;
	v25 =	vadd.f32 v25, v18;
	v27 =	vld.idx.msk [tilespmem:v56+s16+$0x0], $0xffff;
	[tilespmem:s1+$0xFFFFFF80] =	vst v28  }
0x121: {  	v60 =	vor.u32 s6, v2;
	[tilespmem:s1+$0x100] =	vst v26;
	v28 =	vadd.f32 v48, v20;
	v34 =	vld.idx.msk [tilespmem:v55+s16+$0x0], $0xffff  }
0x122: {  	v26 =	vor.u32 s10, v2;
	[tilespmem:s1+$0xFFFFFE00] =	vst v25;
	v33 =	vadd.f32 v57, v22;
	v29 =	vld.idx.msk [tilespmem:v29+s16+$0x0], $0xffff  }
0x123: {  	v36 =	vld.idx.msk [tilespmem:v58+s16+$0x0], $0xffff;
	[tilespmem:s1+$0x80] =	vst v28;
	v28 =	vor.u32 s20, v2;
	v31 =	vadd.f32 v31, v24  }
0x124: {  	v63 =	vor.u32 s17, v2;
	v30 =	vld.idx.msk [tilespmem:v30+s16+$0x0], $0xffff;
	v62 =	vadd.f32 v37, v23;
	[tilespmem:s1+$0xFFFFFE90] =	vst v33  }
0x125: {  	v61 =	vor.u32 s22, v2;
	v25 =	vld.idx.msk [tilespmem:v59+s16+$0x0], $0xffff;
	v27 =	vadd.f32 v27, v19;
	[tilespmem:s1+$0x190] =	vst v31  }
0x126: {  	v44 =	vor.u32 s7, v2;
	v43 =	vld.idx.msk [tilespmem:v60+s16+$0x0], $0xffff;
	[tilespmem:s1+$0xFFFFFF10] =	vst v62;
	v31 =	vadd.f32 v34, v21  }
0x127: {  	v42 =	vor.u32 s8, v2;
	[tilespmem:s1+$0x10] =	vst v27;
	v46 =	vld.idx.msk [tilespmem:v26+s16+$0x0], $0xffff;
	v27 =	vadd.f32 v29, v17  }
0x128: {  	s28 =	simm.s32 $0xA;
	v45 =	vor.u32 s3, v2;
	v28 =	vld.idx.msk [tilespmem:v28+s16+$0x0], $0xffff;
	v29 =	vadd.f32 v36, v18;
	[tilespmem:s1+$0xFFFFFF90] =	vst v31  }
0x129: {  	v47 =	vld.idx.msk [tilespmem:v63+s16+$0x0], $0xffff;
	v26 =	vadd.f32 v30, v20;
	v30 =	vor.u32 s28, v0;
	[tilespmem:s1+$0x110] =	vst v27  }
0x12a: {  	v49 =	vor.u32 s6, v3;
	v31 =	vld.idx.msk [tilespmem:v61+s16+$0x0], $0xffff;
	[tilespmem:s1+$0xFFFFFE10] =	vst v29  }
0x12b: {  	v48 =	vor.u32 s20, v3;
	[tilespmem:s1+$0x90] =	vst v26;
	v29 =	vld.idx.msk [tilespmem:v44+s16+$0x0], $0xffff  }
0x12c: {  	v27 =	vor.u32 s10, v3;
	v34 =	vadd.f32 v43, v22;
	v33 =	vld.idx.msk [tilespmem:v42+s16+$0x0], $0xffff  }
0x12d: {  	v51 =	vor.u32 s22, v3;
	v50 =	vld.idx.msk [tilespmem:v45+s16+$0x0], $0xffff;
	v28 =	vadd.f32 v28, v24  }
0x12e: {  	v52 =	vor.u32 s17, v3;
	[tilespmem:s1+$0xFFFFFEA0] =	vst v34;
	v26 =	vld.idx.msk [tilespmem:v30+s16+$0x0], $0xffff;
	v30 =	vadd.f32 v46, v23  }
0x12f: {  	v54 =	vld.idx.msk [tilespmem:v49+s16+$0x0], $0xffff;
	[tilespmem:s1+$0x1A0] =	vst v28;
	v28 =	vadd.f32 v31, v21;
	v31 =	vor.u32 s8, v3  }
0x130: {  	v55 =	vor.u32 s7, v3;
	v53 =	vld.idx.msk [tilespmem:v48+s16+$0x0], $0xffff;
	[tilespmem:s1+$0xFFFFFF20] =	vst v30;
	v30 =	vadd.f32 v47, v19  }
0x131: {  	s29 =	simm.s32 $0xB;
	v56 =	vor.u32 s3, v3;
	v57 =	vld.idx.msk [tilespmem:v27+s16+$0x0], $0xffff;
	[tilespmem:s1+$0xFFFFFFA0] =	vst v28;
	v27 =	vadd.f32 v33, v20  }
0x132: {  	v29 =	vadd.f32 v29, v17;
	v28 =	vor.u32 s29, v0;
	v58 =	vld.idx.msk [tilespmem:v51+s16+$0x0], $0xffff;
	[tilespmem:s1+$0x20] =	vst v30  }
0x133: {  	v61 =	vor.u32 s6, v4;
	v30 =	vadd.f32 v50, v18;
	v59 =	vld.idx.msk [tilespmem:v52+s16+$0x0], $0xffff;
	[tilespmem:s1+$0xA0] =	vst v27  }
0x134: {  	v60 =	vor.u32 s20, v4;
	[tilespmem:s1+$0x120] =	vst v29;
	v31 =	vld.idx.msk [tilespmem:v31+s16+$0x0], $0xffff  }
0x135: {  	v29 =	vor.u32 s10, v4;
	v37 =	vadd.f32 v54, v22;
	[tilespmem:s1+$0xFFFFFE20] =	vst v30;
	v30 =	vld.idx.msk [tilespmem:v55+s16+$0x0], $0xffff  }
0x136: {  	v63 =	vor.u32 s22, v4;
	v34 =	vadd.f32 v53, v24;
	v62 =	vld.idx.msk [tilespmem:v56+s16+$0x0], $0xffff  }
0x137: {  	v44 =	vor.u32 s17, v4;
	[tilespmem:s1+$0xFFFFFEB0] =	vst v37;
	v27 =	vld.idx.msk [tilespmem:v28+s16+$0x0], $0xffff;
	v28 =	vadd.f32 v57, v23  }
0x138: {  	s30 =	simm.s32 $0xC;
	v45 =	vor.u32 s8, v4;
	v37 =	vld.idx.msk [tilespmem:v61+s16+$0x0], $0xffff;
	[tilespmem:s1+$0x1B0] =	vst v34;
	v33 =	vadd.f32 v58, v21  }
0x139: {  	v48 =	vor.u32 s30, v0;
	v35 =	vld.idx.msk [tilespmem:v60+s16+$0x0], $0xffff;
	[tilespmem:s1+$0xFFFFFF30] =	vst v28;
	v28 =	vadd.f32 v59, v19  }
0x13a: {  	v46 =	vor.u32 s7, v4;
	v29 =	vld.idx.msk [tilespmem:v29+s16+$0x0], $0xffff;
	[tilespmem:s1+$0xFFFFFFB0] =	vst v33;
	v31 =	vadd.f32 v31, v20  }
0x13b: {  	v47 =	vor.u32 s3, v4;
	v38 =	vld.idx.msk [tilespmem:v63+s16+$0x0], $0xffff;
	[tilespmem:s1+$0x30] =	vst v28;
	v28 =	vadd.f32 v30, v17  }
0x13c: {  	v50 =	vor.u32 s6, v5;
	v30 =	vadd.f32 v62, v18;
	v49 =	vld.idx.msk [tilespmem:v44+s16+$0x0], $0xffff;
	[tilespmem:s1+$0xB0] =	vst v31  }
0x13d: {  	v31 =	vor.u32 s20, v5;
	v34 =	vld.idx.msk [tilespmem:v45+s16+$0x0], $0xffff;
	[tilespmem:s1+$0x130] =	vst v28  }
0x13e: {  	v37 =	vadd.f32 v37, v22;
	[tilespmem:s1+$0xFFFFFE30] =	vst v30;
	v30 =	vor.u32 s10, v5;
	v28 =	vld.idx.msk [tilespmem:v48+s16+$0x0], $0xffff  }
0x13f: {  	v51 =	vor.u32 s22, v5;
	v32 =	vld.idx.msk [tilespmem:v46+s16+$0x0], $0xffff;
	v35 =	vadd.f32 v35, v24  }
0x140: {  	v52 =	vor.u32 s17, v5;
	[tilespmem:s1+$0xFFFFFEC0] =	vst v37;
	v39 =	vld.idx.msk [tilespmem:v47+s16+$0x0], $0xffff;
	v29 =	vadd.f32 v29, v23  }
0x141: {  	s31 =	simm.s32 $0xD;
	v54 =	vor.u32 s8, v5;
	v55 =	vld.idx.msk [tilespmem:v50+s16+$0x0], $0xffff;
	[tilespmem:s1+$0x1C0] =	vst v35;
	v53 =	vadd.f32 v38, v21  }
0x142: {  	v58 =	vor.u32 s31, v0;
	v31 =	vld.idx.msk [tilespmem:v31+s16+$0x0], $0xffff;
	[tilespmem:s1+$0xFFFFFF40] =	vst v29;
	v29 =	vadd.f32 v49, v19  }
0x143: {  	v56 =	vor.u32 s7, v5;
	v30 =	vld.idx.msk [tilespmem:v30+s16+$0x0], $0xffff;
	[tilespmem:s1+$0xFFFFFFC0] =	vst v53;
	v34 =	vadd.f32 v34, v20  }
0x144: {  	v57 =	vor.u32 s3, v5;
	v41 =	vld.idx.msk [tilespmem:v51+s16+$0x0], $0xffff;
	[tilespmem:s1+$0x40] =	vst v29  }
0x145: {  	v61 =	vor.u32 s6, v6;
	v29 =	vadd.f32 v32, v17;
	v33 =	vld.idx.msk [tilespmem:v52+s16+$0x0], $0xffff;
	[tilespmem:s1+$0xC0] =	vst v34  }
0x146: {  	v60 =	vor.u32 s20, v6;
	v59 =	vadd.f32 v39, v18;
	v62 =	vld.idx.msk [tilespmem:v54+s16+$0x0], $0xffff  }
0x147: {  	v38 =	vadd.f32 v55, v22;
	v52 =	vor.u32 s10, v6;
	[tilespmem:s1+$0x140] =	vst v29;
	v29 =	vld.idx.msk [tilespmem:v58+s16+$0x0], $0xffff  }
0x148: {  	v44 =	vor.u32 s3, v6;
	v53 =	vor.u32 s22, v6;
	[tilespmem:s1+$0xFFFFFE40] =	vst v59;
	v36 =	vld.idx.msk [tilespmem:v56+s16+$0x0], $0xffff;
	v31 =	vadd.f32 v31, v24  }
0x149: {  	v37 =	vor.u32 s10, v7;
	v54 =	vor.u32 s17, v6;
	[tilespmem:s1+$0xFFFFFED0] =	vst v38;
	v40 =	vld.idx.msk [tilespmem:v57+s16+$0x0], $0xffff;
	v30 =	vadd.f32 v30, v23  }
0x14a: {  	v45 =	vor.u32 s6, v7;
	v56 =	vor.u32 s8, v6;
	v63 =	vld.idx.msk [tilespmem:v61+s16+$0x0], $0xffff;
	[tilespmem:s1+$0x1D0] =	vst v31;
	v55 =	vadd.f32 v41, v21  }
0x14b: {  	v48 =	vmov s31;
	v57 =	vor.u32 s7, v6;
	v46 =	vld.idx.msk [tilespmem:v60+s16+$0x0], $0xffff;
	[tilespmem:s1+$0xFFFFFF50] =	vst v30;
	v30 =	vadd.f32 v33, v19  }
0x14c: {  	s0 =	simm.s32 $0xE;
	v35 =	vor.u32 s8, v7;
	v49 =	vmov s30;
	v58 =	vld.idx.msk [tilespmem:v52+s16+$0x0], $0xffff;
	[tilespmem:s1+$0xFFFFFFD0] =	vst v55;
	v59 =	vadd.f32 v62, v20  }
0x14d: {  	v32 =	vor.u32 s3, v7;
	v60 =	vor.u32 s0, v0;
	v61 =	vld.idx.msk [tilespmem:v53+s16+$0x0], $0xffff;
	[tilespmem:s1+$0x50] =	vst v30;
	v30 =	vadd.f32 v36, v17  }
0x14e: {  	v34 =	vor.u32 s17, v7;
	v62 =	vor.u32 s20, v7;
	v40 =	vadd.f32 v40, v18;
	v38 =	vld.idx.msk [tilespmem:v54+s16+$0x0], $0xffff;
	[tilespmem:s1+$0xD0] =	vst v59  }
0x14f: {  	v31 =	vmov s25;
	v33 =	vor.u32 s22, v7;
	v39 =	vld.idx.msk [tilespmem:v56+s16+$0x0], $0xffff;
	[tilespmem:s1+$0x150] =	vst v30  }
0x150: {  	v55 =	vmov s29;
	v53 =	vmov s26;
	[tilespmem:s1+$0xFFFFFE50] =	vst v40;
	v41 =	vld.idx.msk [tilespmem:v57+s16+$0x0], $0xffff;
	v46 =	vadd.f32 v46, v24  }
0x151: {  	v36 =	vor.u32 s7, v7;
	v63 =	vadd.f32 v63, v22;
	v42 =	vshll.u32 v55, $0x8;
	v43 =	vld.idx.msk [tilespmem:v44+s16+$0x0], $0xffff  }
0x152: {  	v54 =	vmov s28;
	v47 =	vshll.u32 v53, $0x8;
	v30 =	vld.idx.msk [tilespmem:v60+s16+$0x0], $0xffff;
	v50 =	vadd.f32 v58, v23;
	[tilespmem:s1+$0x1E0] =	vst v46  }
0x153: {  	s6 =	simm.s32 $0xF;
	s7 =	simm.s32 $0x10;
	v40 =	vmov s0;
	[tilespmem:s1+$0xFFFFFEE0] =	vst v63;
	v46 =	vshll.u32 v54, $0x8;
	v51 =	vadd.f32 v61, v21;
	v44 =	vld.idx.msk [tilespmem:v62+s16+$0x0], $0xffff  }
.LBB2_5:
0x154: {  	p0 =	slt.u32 s7, $0x38;
	v49 =	vshll.u32 v49, $0x8;
	v52 =	vmov s6;
	v45 =	vld.idx.msk [tilespmem:v45+s16+$0x0], $0xffff;
	[tilespmem:s1+$0xFFFFFF60] =	vst v50;
	v38 =	vadd.f32 v38, v19  }
0x155: {  	v48 =	vshll.u32 v48, $0x8;
	v39 =	vadd.f32 v39, v20;
	v50 =	vshll.u32 v52, $0x8;
	v37 =	vld.idx.msk [tilespmem:v37+s16+$0x0], $0xffff;
	[tilespmem:s1+$0xFFFFFFE0] =	vst v51  }
0x156: {  	v51 =	vor.u32 s6, v0;
	v50 =	vand.u32 $0x3800, v50;
	v33 =	vld.idx.msk [tilespmem:v33+s16+$0x0], $0xffff;
	[tilespmem:s1+$0x60] =	vst v38;
	v38 =	vadd.f32 v41, v17  }
0x157: {  	v41 =	vand.u32 $0x3800, v47;
	v43 =	vadd.f32 v43, v18;
	v47 =	vor.u32 v50, v15;
	v34 =	vld.idx.msk [tilespmem:v34+s16+$0x0], $0xffff;
	[tilespmem:s1+$0xE0] =	vst v39  }
0x158: {  	v40 =	vshll.u32 v40, $0x8;
	v39 =	vor.u32 v41, v14;
	v41 =	vand.u32 $0x3800, v46;
	v35 =	vld.idx.msk [tilespmem:v35+s16+$0x0], $0xffff;
	[tilespmem:s1+$0x160] =	vst v38  }
0x159: {  	v38 =	vor.u32 v41, v13;
	v41 =	vand.u32 $0x3800, v42;
	v24 =	vadd.f32 v44, v24;
	[tilespmem:s1+$0xFFFFFE60] =	vst v43;
	v36 =	vld.idx.msk [tilespmem:v36+s16+$0x0], $0xffff  }
0x15a: {  	v42 =	vand.u32 $0x3800, v49;
	v41 =	vor.u32 v41, v12;
	v22 =	vadd.f32 v45, v22;
	v32 =	vld.idx.msk [tilespmem:v32+s16+$0x0], $0xffff  }
0x15b: {  	v42 =	vor.u32 v42, v11;
	v43 =	vand.u32 $0x3800, v48;
	v23 =	vadd.f32 v37, v23;
	v44 =	vld.idx.msk [tilespmem:v51+s16+$0x0], $0xffff;
	[tilespmem:s1+$0x1F0] =	vst v24  }
0x15c: {  	v40 =	vand.u32 $0x3800, v40;
	v37 =	vor.u32 v43, v10;
	v21 =	vadd.f32 v33, v21;
	v24 =	vld.idx.msk [tilespmem:v47+s9+$0x0], $0xffff;
	[tilespmem:s1+$0xFFFFFEF0] =	vst v22  }
0x15d: {  	v31 =	vshll.u32 v31, $0x8;
	v33 =	vor.u32 v40, v9;
	v19 =	vadd.f32 v34, v19;
	v22 =	vld.idx.msk [tilespmem:v39+s9+$0x0], $0xffff;
	[tilespmem:s1+$0xFFFFFF70] =	vst v23  }
0x15e: {  	v31 =	vor.u32 v8, v31;
	v20 =	vadd.f32 v35, v20;
	v23 =	vld.idx.msk [tilespmem:v38+s9+$0x0], $0xffff;
	[tilespmem:s1+$0xFFFFFFF0] =	vst v21  }
0x15f: {  	v34 =	vor.u32 s7, v0;
	v17 =	vadd.f32 v36, v17;
	v21 =	vld.idx.msk [tilespmem:v41+s9+$0x0], $0xffff;
	[tilespmem:s1+$0x70] =	vst v19  }
0x160: {  	v35 =	vor.u32 s6, v1;
	v18 =	vadd.f32 v32, v18;
	v19 =	vld.idx.msk [tilespmem:v42+s9+$0x0], $0xffff;
	[tilespmem:s1+$0xF0] =	vst v20  }
0x161: {  	v32 =	vor.u32 s26, v1;
	v20 =	vld.idx.msk [tilespmem:v37+s9+$0x0], $0xffff;
	[tilespmem:s1+$0x170] =	vst v17  }
0x162: {  	v36 =	vor.u32 s28, v1;
	v17 =	vld.idx.msk [tilespmem:v33+s9+$0x0], $0xffff;
	v33 =	vadd.f32 v44, v24;
	[tilespmem:s1+$0xFFFFFE70] =	vst v18  }
0x163: {  	v25 =	vadd.f32 v25, v22;
	s1 =	sadd.s32 $0x400, s1;
	v18 =	vld.idx.msk [tilespmem:v31+s9+$0x0], $0xffff;
	v31 =	vor.u32 s29, v1  }
0x164: {  	v37 =	vor.u32 s30, v1;
	v26 =	vadd.f32 v26, v23;
	v34 =	vld.idx.msk [tilespmem:v34+s16+$0x0], $0xffff;
	[tilespmem:s1+$0x180] =	vst v33  }
0x165: {  	[tilespmem:s1+$0xFFFFFE80] =	vst v25;
	v25 =	vadd.f32 v27, v21;
	v27 =	vor.u32 s31, v1;
	v33 =	vld.idx.msk [tilespmem:v35+s16+$0x0], $0xffff  }
0x166: {  	v32 =	vld.idx.msk [tilespmem:v32+s16+$0x0], $0xffff;
	[tilespmem:s1+$0xFFFFFF00] =	vst v26;
	v26 =	vadd.f32 v28, v19;
	v28 =	vor.u32 s0, v1  }
0x167: {  	s3 =	sadd.s32 $0x1, s7;
	v35 =	vor.u32 s25, v1;
	v36 =	vld.idx.msk [tilespmem:v36+s16+$0x0], $0xffff;
	[tilespmem:s1+$0xFFFFFF80] =	vst v25;
	v25 =	vadd.f32 v29, v20  }
0x168: {  	v29 =	vor.u32 s3, v0;
	v31 =	vld.idx.msk [tilespmem:v31+s16+$0x0], $0xffff;
	[tilespmem:s1+$0x0] =	vst v26;
	v26 =	vadd.f32 v30, v17  }
0x169: {  	v38 =	vor.u32 s6, v2;
	v30 =	vadd.f32 v16, v18;
	v37 =	vld.idx.msk [tilespmem:v37+s16+$0x0], $0xffff;
	[tilespmem:s1+$0x80] =	vst v25  }
0x16a: {  	v39 =	vor.u32 s26, v2;
	v16 =	vmov v34;
	v27 =	vld.idx.msk [tilespmem:v27+s16+$0x0], $0xffff;
	[tilespmem:s1+$0x100] =	vst v26  }
0x16b: {  	v26 =	vor.u32 s28, v2;
	[tilespmem:s1+$0xFFFFFE00] =	vst v30;
	v28 =	vld.idx.msk [tilespmem:v28+s16+$0x0], $0xffff;
	v30 =	vadd.f32 v33, v24  }
0x16c: {  	v34 =	vor.u32 s29, v2;
	v32 =	vadd.f32 v32, v22;
	v33 =	vld.idx.msk [tilespmem:v35+s16+$0x0], $0xffff  }
0x16d: {  	v35 =	vor.u32 s30, v2;
	v25 =	vld.idx.msk [tilespmem:v29+s16+$0x0], $0xffff;
	v29 =	vadd.f32 v36, v23;
	[tilespmem:s1+$0x190] =	vst v30  }
0x16e: {  	v30 =	vadd.f32 v31, v21;
	v31 =	vor.u32 s31, v2;
	[tilespmem:s1+$0xFFFFFE90] =	vst v32;
	v32 =	vld.idx.msk [tilespmem:v38+s16+$0x0], $0xffff  }
0x16f: {  	v36 =	vld.idx.msk [tilespmem:v39+s16+$0x0], $0xffff;
	[tilespmem:s1+$0xFFFFFF10] =	vst v29;
	v29 =	vadd.f32 v37, v19;
	v37 =	vor.u32 s0, v2  }
0x170: {  	s8 =	sadd.s32 $0x2, s7;
	v38 =	vor.u32 s25, v2;
	v39 =	vld.idx.msk [tilespmem:v26+s16+$0x0], $0xffff;
	[tilespmem:s1+$0xFFFFFF90] =	vst v30;
	v26 =	vadd.f32 v27, v20  }
0x171: {  	v27 =	vor.u32 s8, v0;
	v28 =	vadd.f32 v28, v17;
	v30 =	vld.idx.msk [tilespmem:v34+s16+$0x0], $0xffff;
	[tilespmem:s1+$0x10] =	vst v29  }
0x172: {  	v29 =	vadd.f32 v33, v18;
	v34 =	vor.u32 s6, v3;
	v33 =	vld.idx.msk [tilespmem:v35+s16+$0x0], $0xffff;
	[tilespmem:s1+$0x90] =	vst v26  }
0x173: {  	v35 =	vor.u32 s26, v3;
	v31 =	vld.idx.msk [tilespmem:v31+s16+$0x0], $0xffff;
	[tilespmem:s1+$0x110] =	vst v28  }
0x174: {  	v28 =	vor.u32 s28, v3;
	v32 =	vadd.f32 v32, v24;
	[tilespmem:s1+$0xFFFFFE10] =	vst v29;
	v29 =	vld.idx.msk [tilespmem:v37+s16+$0x0], $0xffff  }
0x175: {  	v36 =	vadd.f32 v36, v22;
	v37 =	vld.idx.msk [tilespmem:v38+s16+$0x0], $0xffff;
	v38 =	vor.u32 s29, v3  }
0x176: {  	v26 =	vld.idx.msk [tilespmem:v27+s16+$0x0], $0xffff;
	v27 =	vadd.f32 v39, v23;
	v39 =	vor.u32 s30, v3;
	[tilespmem:s1+$0x1A0] =	vst v32  }
0x177: {  	v30 =	vadd.f32 v30, v21;
	v32 =	vor.u32 s31, v3;
	[tilespmem:s1+$0xFFFFFEA0] =	vst v36;
	v34 =	vld.idx.msk [tilespmem:v34+s16+$0x0], $0xffff  }
0x178: {  	v35 =	vld.idx.msk [tilespmem:v35+s16+$0x0], $0xffff;
	[tilespmem:s1+$0xFFFFFF20] =	vst v27;
	v27 =	vadd.f32 v33, v19;
	v33 =	vor.u32 s0, v3  }
0x179: {  	s10 =	sadd.s32 $0x3, s7;
	v36 =	vor.u32 s25, v3;
	v28 =	vld.idx.msk [tilespmem:v28+s16+$0x0], $0xffff;
	[tilespmem:s1+$0xFFFFFFA0] =	vst v30;
	v30 =	vadd.f32 v31, v20  }
0x17a: {  	v31 =	vor.u32 s10, v0;
	v38 =	vld.idx.msk [tilespmem:v38+s16+$0x0], $0xffff;
	[tilespmem:s1+$0x20] =	vst v27;
	v27 =	vadd.f32 v29, v17  }
0x17b: {  	v29 =	vadd.f32 v37, v18;
	v37 =	vld.idx.msk [tilespmem:v39+s16+$0x0], $0xffff;
	[tilespmem:s1+$0xA0] =	vst v30;
	v30 =	vor.u32 s6, v4  }
0x17c: {  	v39 =	vor.u32 s26, v4;
	v32 =	vld.idx.msk [tilespmem:v32+s16+$0x0], $0xffff;
	[tilespmem:s1+$0x120] =	vst v27  }
0x17d: {  	v34 =	vadd.f32 v34, v24;
	[tilespmem:s1+$0xFFFFFE20] =	vst v29;
	v29 =	vor.u32 s28, v4;
	v33 =	vld.idx.msk [tilespmem:v33+s16+$0x0], $0xffff  }
0x17e: {  	v40 =	vor.u32 s29, v4;
	v35 =	vadd.f32 v35, v22;
	v36 =	vld.idx.msk [tilespmem:v36+s16+$0x0], $0xffff  }
0x17f: {  	v28 =	vadd.f32 v28, v23;
	v27 =	vld.idx.msk [tilespmem:v31+s16+$0x0], $0xffff;
	v31 =	vor.u32 s30, v4;
	[tilespmem:s1+$0x1B0] =	vst v34  }
0x180: {  	v34 =	vadd.f32 v38, v21;
	[tilespmem:s1+$0xFFFFFEB0] =	vst v35;
	v35 =	vor.u32 s31, v4;
	v30 =	vld.idx.msk [tilespmem:v30+s16+$0x0], $0xffff  }
0x181: {  	v38 =	vld.idx.msk [tilespmem:v39+s16+$0x0], $0xffff;
	[tilespmem:s1+$0xFFFFFF30] =	vst v28;
	v28 =	vadd.f32 v37, v19;
	v37 =	vor.u32 s0, v4  }
0x182: {  	s20 =	sadd.s32 $0x4, s7;
	v39 =	vor.u32 s25, v4;
	v32 =	vadd.f32 v32, v20;
	v29 =	vld.idx.msk [tilespmem:v29+s16+$0x0], $0xffff;
	[tilespmem:s1+$0xFFFFFFB0] =	vst v34  }
0x183: {  	v34 =	vor.u32 s20, v0;
	v40 =	vld.idx.msk [tilespmem:v40+s16+$0x0], $0xffff;
	[tilespmem:s1+$0x30] =	vst v28;
	v28 =	vadd.f32 v33, v17  }
0x184: {  	v33 =	vadd.f32 v36, v18;
	v31 =	vld.idx.msk [tilespmem:v31+s16+$0x0], $0xffff;
	[tilespmem:s1+$0xB0] =	vst v32;
	v32 =	vor.u32 s6, v5  }
0x185: {  	v36 =	vor.u32 s26, v5;
	v35 =	vld.idx.msk [tilespmem:v35+s16+$0x0], $0xffff;
	[tilespmem:s1+$0x130] =	vst v28  }
0x186: {  	v30 =	vadd.f32 v30, v24;
	[tilespmem:s1+$0xFFFFFE30] =	vst v33;
	v33 =	vor.u32 s28, v5;
	v37 =	vld.idx.msk [tilespmem:v37+s16+$0x0], $0xffff  }
0x187: {  	v41 =	vor.u32 s29, v5;
	v38 =	vadd.f32 v38, v22;
	v39 =	vld.idx.msk [tilespmem:v39+s16+$0x0], $0xffff  }
0x188: {  	v29 =	vadd.f32 v29, v23;
	v28 =	vld.idx.msk [tilespmem:v34+s16+$0x0], $0xffff;
	v34 =	vor.u32 s30, v5;
	[tilespmem:s1+$0x1C0] =	vst v30  }
0x189: {  	v30 =	vadd.f32 v40, v21;
	[tilespmem:s1+$0xFFFFFEC0] =	vst v38;
	v38 =	vor.u32 s31, v5;
	v32 =	vld.idx.msk [tilespmem:v32+s16+$0x0], $0xffff  }
0x18a: {  	v36 =	vld.idx.msk [tilespmem:v36+s16+$0x0], $0xffff;
	[tilespmem:s1+$0xFFFFFF40] =	vst v29;
	v29 =	vadd.f32 v31, v19;
	v31 =	vor.u32 s0, v5  }
0x18b: {  	s22 =	sadd.s32 $0x5, s7;
	v40 =	vor.u32 s25, v5;
	v33 =	vld.idx.msk [tilespmem:v33+s16+$0x0], $0xffff;
	[tilespmem:s1+$0xFFFFFFC0] =	vst v30;
	v30 =	vadd.f32 v35, v20  }
0x18c: {  	v35 =	vor.u32 s22, v0;
	v41 =	vld.idx.msk [tilespmem:v41+s16+$0x0], $0xffff;
	[tilespmem:s1+$0x40] =	vst v29;
	v29 =	vadd.f32 v37, v17  }
0x18d: {  	v37 =	vadd.f32 v39, v18;
	v34 =	vld.idx.msk [tilespmem:v34+s16+$0x0], $0xffff;
	[tilespmem:s1+$0xC0] =	vst v30;
	v30 =	vor.u32 s6, v6  }
0x18e: {  	v39 =	vor.u32 s26, v6;
	v38 =	vld.idx.msk [tilespmem:v38+s16+$0x0], $0xffff;
	[tilespmem:s1+$0x140] =	vst v29  }
0x18f: {  	[tilespmem:s1+$0xFFFFFE40] =	vst v37;
	v37 =	vor.u32 s28, v6;
	v42 =	vld.idx.msk [tilespmem:v31+s16+$0x0], $0xffff;
	v31 =	vadd.f32 v32, v24  }
0x190: {  	v53 =	vor.u32 s6, v7;
	v43 =	vor.u32 s29, v6;
	v36 =	vadd.f32 v36, v22;
	v40 =	vld.idx.msk [tilespmem:v40+s16+$0x0], $0xffff  }
0x191: {  	v32 =	vor.u32 s25, v7;
	v33 =	vadd.f32 v33, v23;
	v29 =	vld.idx.msk [tilespmem:v35+s16+$0x0], $0xffff;
	v35 =	vor.u32 s30, v6;
	[tilespmem:s1+$0x1D0] =	vst v31  }
0x192: {  	v44 =	vor.u32 s25, v6;
	s25 =	smov.u32 s7;
	[tilespmem:s1+$0xFFFFFED0] =	vst v36;
	v36 =	vadd.f32 v41, v21;
	v41 =	vor.u32 s31, v6;
	v30 =	vld.idx.msk [tilespmem:v30+s16+$0x0], $0xffff  }
0x193: {  	v47 =	vor.u32 s0, v6;
	v31 =	vmov s7;
	v34 =	vadd.f32 v34, v19;
	v46 =	vld.idx.msk [tilespmem:v39+s16+$0x0], $0xffff;
	[tilespmem:s1+$0xFFFFFF50] =	vst v33  }
0x194: {  	s17 =	sadd.s32 $0x6, s7;
	v33 =	vor.u32 s29, v7;
	s29 =	smov.u32 s10;
	v50 =	vld.idx.msk [tilespmem:v37+s16+$0x0], $0xffff;
	v37 =	vor.u32 s28, v7;
	[tilespmem:s1+$0xFFFFFFD0] =	vst v36;
	v36 =	vadd.f32 v38, v20;
	s28 =	smov.u32 s8  }
0x195: {  	v51 =	vor.u32 s17, v0;
	v42 =	vadd.f32 v42, v17;
	v52 =	vld.idx.msk [tilespmem:v43+s16+$0x0], $0xffff;
	[tilespmem:s1+$0x50] =	vst v34;
	v34 =	vor.u32 s30, v7;
	s30 =	smov.u32 s20  }
0x196: {  	v54 =	vmov s3;
	v40 =	vadd.f32 v40, v18;
	v38 =	vld.idx.msk [tilespmem:v35+s16+$0x0], $0xffff;
	[tilespmem:s1+$0xD0] =	vst v36;
	v35 =	vor.u32 s31, v7;
	s31 =	smov.u32 s22  }
.Ltmp1:
0x197: {  	v45 =	vor.u32 s26, v7;
	s26 =	smov.u32 s3;
	v36 =	vor.u32 s0, v7;
	s0 =	smov.u32 s17;
	v39 =	vld.idx.msk [tilespmem:v41+s16+$0x0], $0xffff;
	[tilespmem:s1+$0x150] =	vst v42;
	(pc) =	sbr.rel @p0 .LBB2_5-.Ltmp1, $4  }
0x198: {  	v55 =	vmov s29;
	v42 =	vmov s28;
	v56 =	vadd.f32 v30, v24;
	[tilespmem:s1+$0xFFFFFE50] =	vst v40;
	v41 =	vld.idx.msk [tilespmem:v47+s16+$0x0], $0xffff  }
0x199: {  	v49 =	vmov s30;
	v48 =	vmov s31;
	v43 =	vld.idx.msk [tilespmem:v44+s16+$0x0], $0xffff;
	v44 =	vadd.f32 v46, v22  }
0x19a: {  	v47 =	vshll.u32 v54, $0x8;
	v40 =	vmov s0;
	v50 =	vadd.f32 v50, v23;
	v30 =	vld.idx.msk [tilespmem:v51+s16+$0x0], $0xffff;
	[tilespmem:s1+$0x1E0] =	vst v56  }
0x19b: {  	s6 =	sadd.s32 $0x7, s25;
	s7 =	sadd.s32 $0x8, s7;
	v46 =	vshll.u32 v42, $0x8;
	v42 =	vshll.u32 v55, $0x8;
	v51 =	vadd.f32 v52, v21;
	[tilespmem:s1+$0xFFFFFEE0] =	vst v44;
	v44 =	vld.idx.msk [tilespmem:v53+s16+$0x0], $0xffff  }
0x19c: {  	_ =	sdelay $0x3  }
0x19d: {  	v49 =	vshll.u32 v49, $0x8;
	v52 =	vmov s6;
	v45 =	vld.idx.msk [tilespmem:v45+s16+$0x0], $0xffff;
	[tilespmem:s1+$0xFFFFFF60] =	vst v50;
	v38 =	vadd.f32 v38, v19  }
0x19e: {  	v48 =	vshll.u32 v48, $0x8;
	v39 =	vadd.f32 v39, v20;
	v54 =	vor.u32 s6, v0;
	v37 =	vld.idx.msk [tilespmem:v37+s16+$0x0], $0xffff;
	[tilespmem:s1+$0xFFFFFFE0] =	vst v51  }
0x19f: {  	v56 =	vand.u32 $0x3800, v47;
	v57 =	vand.u32 $0x3800, v46;
	v55 =	vadd.f32 v41, v17;
	v33 =	vld.idx.msk [tilespmem:v33+s16+$0x0], $0xffff;
	[tilespmem:s1+$0x60] =	vst v38  }
0x1a0: {  	v58 =	vand.u32 $0x3800, v42;
	v14 =	vor.u32 v56, v14;
	v43 =	vadd.f32 v43, v18;
	[tilespmem:s1+$0xE0] =	vst v39;
	v34 =	vld.idx.msk [tilespmem:v34+s16+$0x0], $0xffff  }
0x1a1: {  	v40 =	vshll.u32 v40, $0x8;
	v53 =	vshll.u32 v52, $0x8;
	v12 =	vor.u32 v58, v12;
	v35 =	vld.idx.msk [tilespmem:v35+s16+$0x0], $0xffff;
	[tilespmem:s1+$0x160] =	vst v55  }
0x1a2: {  	v13 =	vor.u32 v57, v13;
	v59 =	vand.u32 $0x3800, v49;
	[tilespmem:s1+$0xFFFFFE60] =	vst v43;
	v36 =	vld.idx.msk [tilespmem:v36+s16+$0x0], $0xffff;
	v24 =	vadd.f32 v44, v24  }
0x1a3: {  	v60 =	vand.u32 $0x3800, v48;
	v38 =	vor.u32 v59, v11;
	v32 =	vld.idx.msk [tilespmem:v32+s16+$0x0], $0xffff;
	v22 =	vadd.f32 v45, v22  }
0x1a4: {  	v50 =	vand.u32 $0x3800, v53;
	v62 =	vor.u32 v60, v10;
	v61 =	vld.idx.msk [tilespmem:v54+s16+$0x0], $0xffff;
	v23 =	vadd.f32 v37, v23;
	[tilespmem:s1+$0x1F0] =	vst v24  }
0x1a5: {  	v63 =	vand.u32 $0x3800, v40;
	v15 =	vor.u32 v50, v15;
	v11 =	vld.idx.msk [tilespmem:v14+s9+$0x0], $0xffff;
	[tilespmem:s1+$0xFFFFFEF0] =	vst v22;
	v40 =	vadd.f32 v33, v21  }
0x1a6: {  	v41 =	vshll.u32 v31, $0x8;
	v42 =	vor.u32 v63, v9;
	v9 =	vld.idx.msk [tilespmem:v12+s9+$0x0], $0xffff;
	[tilespmem:s1+$0xFFFFFF70] =	vst v23;
	v43 =	vadd.f32 v34, v19  }
0x1a7: {  	v21 =	vor.u32 v8, v41;
	v8 =	vld.idx.msk [tilespmem:v13+s9+$0x0], $0xffff;
	v44 =	vadd.f32 v35, v20;
	[tilespmem:s1+$0xFFFFFFF0] =	vst v40  }
0x1a8: {  	v48 =	vor.u32 s26, v1;
	v12 =	vld.idx.msk [tilespmem:v38+s9+$0x0], $0xffff;
	v45 =	vadd.f32 v36, v17;
	[tilespmem:s1+$0x70] =	vst v43  }
0x1a9: {  	v52 =	vor.u32 s29, v1;
	v13 =	vld.idx.msk [tilespmem:v62+s9+$0x0], $0xffff;
	v47 =	vadd.f32 v32, v18;
	[tilespmem:s1+$0xF0] =	vst v44  }
0x1aa: {  	v49 =	vor.u32 s28, v1;
	v10 =	vld.idx.msk [tilespmem:v15+s9+$0x0], $0xffff;
	[tilespmem:s1+$0x170] =	vst v45;
	v51 =	vadd.f32 v25, v11  }
0x1ab: {  	s22 =	sadd.s32 $0x400, s1;
	v54 =	vor.u32 s30, v1;
	v14 =	vld.idx.msk [tilespmem:v42+s9+$0x0], $0xffff;
	v55 =	vadd.f32 v27, v9;
	[tilespmem:s1+$0xFFFFFE70] =	vst v47  }
0x1ac: {  	v56 =	vor.u32 s31, v1;
	v15 =	vld.idx.msk [tilespmem:v21+s9+$0x0], $0xffff;
	v53 =	vadd.f32 v26, v8;
	[tilespmem:s22+$0xFFFFFE80] =	vst v51  }
0x1ad: {  	v46 =	vor.u32 s6, v1;
	v57 =	vadd.f32 v28, v12;
	[tilespmem:s22+$0xFFFFFF80] =	vst v55;
	v19 =	vld.idx.msk [tilespmem:v48+s16+$0x0], $0xffff  }
0x1ae: {  	v58 =	vor.u32 s0, v1;
	v60 =	vadd.f32 v29, v13;
	[tilespmem:s22+$0xFFFFFF00] =	vst v53;
	v23 =	vld.idx.msk [tilespmem:v52+s16+$0x0], $0xffff  }
0x1af: {  	v59 =	vor.u32 s25, v1;
	v50 =	vadd.f32 v61, v10;
	[tilespmem:s22+$0x0] =	vst v57;
	v20 =	vld.idx.msk [tilespmem:v49+s16+$0x0], $0xffff  }
0x1b0: {  	v63 =	vor.u32 s26, v2;
	v61 =	vadd.f32 v30, v14;
	[tilespmem:s22+$0x80] =	vst v60;
	v24 =	vld.idx.msk [tilespmem:v54+s16+$0x0], $0xffff  }
0x1b1: {  	v34 =	vor.u32 s29, v2;
	[tilespmem:s22+$0x180] =	vst v50;
	v22 =	vld.idx.msk [tilespmem:v56+s16+$0x0], $0xffff;
	v16 =	vadd.f32 v16, v15  }
0x1b2: {  	v32 =	vor.u32 s28, v2;
	[tilespmem:s22+$0x100] =	vst v61;
	v17 =	vld.idx.msk [tilespmem:v46+s16+$0x0], $0xffff;
	v19 =	vadd.f32 v19, v11  }
0x1b3: {  	v35 =	vor.u32 s30, v2;
	v33 =	vld.idx.msk [tilespmem:v58+s16+$0x0], $0xffff;
	[tilespmem:s22+$0xFFFFFE00] =	vst v16;
	v36 =	vadd.f32 v23, v9  }
0x1b4: {  	v37 =	vor.u32 s31, v2;
	v26 =	vld.idx.msk [tilespmem:v59+s16+$0x0], $0xffff;
	v20 =	vadd.f32 v20, v8;
	[tilespmem:s22+$0xFFFFFE90] =	vst v19  }
0x1b5: {  	v62 =	vor.u32 s6, v2;
	v39 =	vadd.f32 v24, v12;
	[tilespmem:s22+$0xFFFFFF90] =	vst v36;
	v18 =	vld.idx.msk [tilespmem:v63+s16+$0x0], $0xffff  }
0x1b6: {  	v40 =	vor.u32 s0, v2;
	v42 =	vadd.f32 v22, v13;
	[tilespmem:s22+$0xFFFFFF10] =	vst v20;
	v43 =	vld.idx.msk [tilespmem:v34+s16+$0x0], $0xffff  }
0x1b7: {  	v41 =	vor.u32 s25, v2;
	v17 =	vadd.f32 v17, v10;
	[tilespmem:s22+$0x10] =	vst v39;
	v21 =	vld.idx.msk [tilespmem:v32+s16+$0x0], $0xffff  }
0x1b8: {  	v47 =	vor.u32 s26, v3;
	v16 =	vadd.f32 v33, v14;
	[tilespmem:s22+$0x90] =	vst v42;
	v46 =	vld.idx.msk [tilespmem:v35+s16+$0x0], $0xffff  }
0x1b9: {  	v49 =	vor.u32 s29, v3;
	[tilespmem:s22+$0x190] =	vst v17;
	v19 =	vld.idx.msk [tilespmem:v37+s16+$0x0], $0xffff;
	v45 =	vadd.f32 v26, v15  }
0x1ba: {  	v48 =	vor.u32 s28, v3;
	[tilespmem:s22+$0x110] =	vst v16;
	v38 =	vld.idx.msk [tilespmem:v62+s16+$0x0], $0xffff;
	v18 =	vadd.f32 v18, v11  }
0x1bb: {  	v50 =	vor.u32 s30, v3;
	v24 =	vld.idx.msk [tilespmem:v40+s16+$0x0], $0xffff;
	[tilespmem:s22+$0xFFFFFE10] =	vst v45;
	v51 =	vadd.f32 v43, v9  }
0x1bc: {  	v52 =	vor.u32 s31, v3;
	v27 =	vld.idx.msk [tilespmem:v41+s16+$0x0], $0xffff;
	v21 =	vadd.f32 v21, v8;
	[tilespmem:s22+$0xFFFFFEA0] =	vst v18  }
0x1bd: {  	v44 =	vor.u32 s6, v3;
	v53 =	vadd.f32 v46, v12;
	[tilespmem:s22+$0xFFFFFFA0] =	vst v51;
	v17 =	vld.idx.msk [tilespmem:v47+s16+$0x0], $0xffff  }
0x1be: {  	v54 =	vor.u32 s0, v3;
	v56 =	vadd.f32 v19, v13;
	[tilespmem:s22+$0xFFFFFF20] =	vst v21;
	v57 =	vld.idx.msk [tilespmem:v49+s16+$0x0], $0xffff  }
0x1bf: {  	v55 =	vor.u32 s25, v3;
	v23 =	vadd.f32 v38, v10;
	[tilespmem:s22+$0x20] =	vst v53;
	v16 =	vld.idx.msk [tilespmem:v48+s16+$0x0], $0xffff  }
0x1c0: {  	v62 =	vor.u32 s26, v4;
	v58 =	vadd.f32 v24, v14;
	[tilespmem:s22+$0xA0] =	vst v56;
	v61 =	vld.idx.msk [tilespmem:v50+s16+$0x0], $0xffff  }
0x1c1: {  	v32 =	vor.u32 s29, v4;
	[tilespmem:s22+$0x1A0] =	vst v23;
	v22 =	vld.idx.msk [tilespmem:v52+s16+$0x0], $0xffff;
	v60 =	vadd.f32 v27, v15  }
0x1c2: {  	v63 =	vor.u32 s28, v4;
	[tilespmem:s22+$0x120] =	vst v58;
	v20 =	vld.idx.msk [tilespmem:v44+s16+$0x0], $0xffff;
	v17 =	vadd.f32 v17, v11  }
0x1c3: {  	v33 =	vor.u32 s30, v4;
	v23 =	vld.idx.msk [tilespmem:v54+s16+$0x0], $0xffff;
	[tilespmem:s22+$0xFFFFFE20] =	vst v60;
	v34 =	vadd.f32 v57, v9  }
0x1c4: {  	v35 =	vor.u32 s31, v4;
	v26 =	vld.idx.msk [tilespmem:v55+s16+$0x0], $0xffff;
	v16 =	vadd.f32 v16, v8;
	[tilespmem:s22+$0xFFFFFEB0] =	vst v17  }
0x1c5: {  	v59 =	vor.u32 s6, v4;
	v36 =	vadd.f32 v61, v12;
	[tilespmem:s22+$0xFFFFFFB0] =	vst v34;
	v18 =	vld.idx.msk [tilespmem:v62+s16+$0x0], $0xffff  }
0x1c6: {  	v39 =	vadd.f32 v22, v13;
	[tilespmem:s22+$0xFFFFFF30] =	vst v16;
	v40 =	vld.idx.msk [tilespmem:v32+s16+$0x0], $0xffff  }
0x1c7: {  	v37 =	vor.u32 s0, v4;
	v20 =	vadd.f32 v20, v10;
	[tilespmem:s22+$0x30] =	vst v36;
	v21 =	vld.idx.msk [tilespmem:v63+s16+$0x0], $0xffff  }
0x1c8: {  	v38 =	vor.u32 s25, v4;
	v41 =	vadd.f32 v23, v14;
	[tilespmem:s22+$0xB0] =	vst v39;
	v44 =	vld.idx.msk [tilespmem:v33+s16+$0x0], $0xffff  }
0x1c9: {  	v45 =	vor.u32 s26, v5;
	[tilespmem:s22+$0x1B0] =	vst v20;
	v19 =	vld.idx.msk [tilespmem:v35+s16+$0x0], $0xffff;
	v43 =	vadd.f32 v26, v15  }
0x1ca: {  	v47 =	vor.u32 s29, v5;
	[tilespmem:s22+$0x130] =	vst v41;
	v20 =	vld.idx.msk [tilespmem:v59+s16+$0x0], $0xffff;
	v18 =	vadd.f32 v18, v11  }
0x1cb: {  	v46 =	vor.u32 s28, v5;
	[tilespmem:s22+$0xFFFFFE30] =	vst v43;
	v49 =	vadd.f32 v40, v9  }
0x1cc: {  	v50 =	vor.u32 s31, v5;
	v24 =	vld.idx.msk [tilespmem:v37+s16+$0x0], $0xffff;
	v21 =	vadd.f32 v21, v8;
	[tilespmem:s22+$0xFFFFFEC0] =	vst v18  }
0x1cd: {  	v48 =	vor.u32 s30, v5;
	v27 =	vld.idx.msk [tilespmem:v38+s16+$0x0], $0xffff;
	v52 =	vadd.f32 v44, v12;
	[tilespmem:s22+$0xFFFFFFC0] =	vst v49  }
0x1ce: {  	v42 =	vor.u32 s6, v5;
	v55 =	vadd.f32 v19, v13;
	v17 =	vld.idx.msk [tilespmem:v45+s16+$0x0], $0xffff;
	[tilespmem:s22+$0xFFFFFF40] =	vst v21  }
0x1cf: {  	v53 =	vor.u32 s0, v5;
	v20 =	vadd.f32 v20, v10;
	v56 =	vld.idx.msk [tilespmem:v47+s16+$0x0], $0xffff;
	[tilespmem:s22+$0x40] =	vst v52  }
0x1d0: {  	v54 =	vor.u32 s25, v5;
	[tilespmem:s22+$0xC0] =	vst v55;
	v16 =	vld.idx.msk [tilespmem:v46+s16+$0x0], $0xffff  }
0x1d1: {  	v61 =	vor.u32 s26, v6;
	v57 =	vadd.f32 v24, v14;
	[tilespmem:s22+$0x1C0] =	vst v20;
	v20 =	vld.idx.msk [tilespmem:v50+s16+$0x0], $0xffff  }
0x1d2: {  	v63 =	vor.u32 s29, v6;
	v60 =	vld.idx.msk [tilespmem:v48+s16+$0x0], $0xffff;
	v59 =	vadd.f32 v27, v15  }
0x1d3: {  	v62 =	vor.u32 s28, v6;
	[tilespmem:s22+$0x140] =	vst v57;
	v51 =	vld.idx.msk [tilespmem:v42+s16+$0x0], $0xffff;
	v17 =	vadd.f32 v17, v11  }
0x1d4: {  	v34 =	vor.u32 s31, v6;
	v23 =	vld.idx.msk [tilespmem:v53+s16+$0x0], $0xffff;
	[tilespmem:s22+$0xFFFFFE40] =	vst v59;
	v33 =	vadd.f32 v56, v9  }
0x1d5: {  	v32 =	vor.u32 s30, v6;
	v26 =	vld.idx.msk [tilespmem:v54+s16+$0x0], $0xffff;
	v16 =	vadd.f32 v16, v8;
	[tilespmem:s22+$0xFFFFFED0] =	vst v17  }
0x1d6: {  	v58 =	vor.u32 s6, v6;
	v38 =	vadd.f32 v20, v13;
	[tilespmem:s22+$0xFFFFFFD0] =	vst v33;
	v18 =	vld.idx.msk [tilespmem:v61+s16+$0x0], $0xffff  }
0x1d7: {  	v36 =	vor.u32 s0, v6;
	v35 =	vadd.f32 v60, v12;
	[tilespmem:s22+$0xFFFFFF50] =	vst v16;
	v39 =	vld.idx.msk [tilespmem:v63+s16+$0x0], $0xffff  }
0x1d8: {  	v37 =	vor.u32 s25, v6;
	v22 =	vadd.f32 v51, v10;
	[tilespmem:s22+$0xD0] =	vst v38;
	v21 =	vld.idx.msk [tilespmem:v62+s16+$0x0], $0xffff  }
0x1d9: {  	v44 =	vor.u32 s26, v7;
	v40 =	vadd.f32 v23, v14;
	[tilespmem:s22+$0x50] =	vst v35;
	v19 =	vld.idx.msk [tilespmem:v34+s16+$0x0], $0xffff  }
0x1da: {  	v47 =	vor.u32 s29, v7;
	[tilespmem:s22+$0x1D0] =	vst v22;
	v43 =	vld.idx.msk [tilespmem:v32+s16+$0x0], $0xffff;
	v42 =	vadd.f32 v26, v15  }
0x1db: {  	v45 =	vor.u32 s28, v7;
	[tilespmem:s22+$0x150] =	vst v40;
	v22 =	vld.idx.msk [tilespmem:v58+s16+$0x0], $0xffff;
	v18 =	vadd.f32 v18, v11  }
0x1dc: {  	v49 =	vor.u32 s31, v7;
	v24 =	vld.idx.msk [tilespmem:v36+s16+$0x0], $0xffff;
	[tilespmem:s22+$0xFFFFFE50] =	vst v42;
	v50 =	vadd.f32 v39, v9  }
0x1dd: {  	v48 =	vor.u32 s30, v7;
	v27 =	vld.idx.msk [tilespmem:v37+s16+$0x0], $0xffff;
	v21 =	vadd.f32 v21, v8;
	[tilespmem:s22+$0xFFFFFEE0] =	vst v18  }
0x1de: {  	v41 =	vor.u32 s6, v7;
	v55 =	vadd.f32 v19, v13;
	[tilespmem:s22+$0xFFFFFFE0] =	vst v50;
	v17 =	vld.idx.msk [tilespmem:v44+s16+$0x0], $0xffff  }
0x1df: {  	v52 =	vor.u32 s0, v7;
	v53 =	vadd.f32 v43, v12;
	[tilespmem:s22+$0xFFFFFF60] =	vst v21;
	v56 =	vld.idx.msk [tilespmem:v47+s16+$0x0], $0xffff  }
0x1e0: {  	v54 =	vor.u32 s25, v7;
	v46 =	vadd.f32 v22, v10;
	[tilespmem:s22+$0xE0] =	vst v55;
	v28 =	vld.idx.msk [tilespmem:v45+s16+$0x0], $0xffff  }
0x1e1: {  	v57 =	vadd.f32 v24, v14;
	[tilespmem:s22+$0x60] =	vst v53;
	v16 =	vld.idx.msk [tilespmem:v49+s16+$0x0], $0xffff  }
0x1e2: {  	[tilespmem:s22+$0x1E0] =	vst v46;
	v59 =	vld.idx.msk [tilespmem:v48+s16+$0x0], $0xffff;
	v58 =	vadd.f32 v27, v15  }
0x1e3: {  	[tilespmem:s22+$0x160] =	vst v57;
	v51 =	vld.idx.msk [tilespmem:v41+s16+$0x0], $0xffff;
	v11 =	vadd.f32 v17, v11  }
0x1e4: {  	v60 =	vld.idx.msk [tilespmem:v52+s16+$0x0], $0xffff;
	[tilespmem:s22+$0xFFFFFE60] =	vst v58;
	v9 =	vadd.f32 v56, v9  }
0x1e5: {  	v61 =	vld.idx.msk [tilespmem:v54+s16+$0x0], $0xffff;
	v8 =	vadd.f32 v28, v8;
	[tilespmem:s22+$0xFFFFFEF0] =	vst v11  }
0x1e6: {  	v62 =	vadd.f32 v16, v13;
	[tilespmem:s22+$0xFFFFFFF0] =	vst v9  }
0x1e7: {  	s23 =	sadd.s32 $0x1, s23;
	[tilespmem:s22+$0xFFFFFF70] =	vst v8;
	v8 =	vadd.f32 v59, v12  }
0x1e8: {  	p0 =	sne.s32 s23, $0x64;
	v10 =	vadd.f32 v51, v10;
	[tilespmem:s22+$0xF0] =	vst v62  }
.Ltmp2:
0x1e9: {  	s31 =	sshll.u32 s24, $0x12;
	[tilespmem:s22+$0x70] =	vst v8;
	v8 =	vadd.f32 v60, v14;
	(pc) =	sbr.rel @p0 .LBB2_2-.Ltmp2, $4  }
0x1ea: {  	s0 =	sor.u32 s4, s31;
	[tilespmem:s22+$0x1F0] =	vst v10;
	v63 =	vadd.f32 v61, v15  }
0x1eb: {  	s0 =	sshrl.u32 s0, $0x3;
	[tilespmem:s22+$0x170] =	vst v8  }
0x1ec: {  	s0 =	sadd.s32 s2, s0;
	[tilespmem:s22+$0xFFFFFE70] =	vst v63  }
0x1ed: {  	[hbm4b:s0+s11] =	stream.strided.scatter [tilespmem:s19], [sflag:$0x4], $0x2000, s12, s11, $0x38;
	[tilespmem:$0x16400] =	vst v63  }
0x1ee: {  	s0 =	simm.s32 $0x3  }
0x1ef: {  	_ =	swait.ge [sflag:s0], $0x2000  }
0x1f0: {  	[sflag:s0] =	ssyncset.done $0x0  }
0x1f1: {  	[sflag:s0] =	ssyncadd.s32 $0xFFFFE000  }
0x1f2: {  	_ =	swait.ge [sflag:s21], $0x2000  }
0x1f3: {  	s1 =	rddreg [dreg:$0x7]  }
0x1f4: {  	s31 =	rddreg [dreg:$0x6];
	s1 =	sadd.s32 $0x1, s1  }
0x1f5: {  	p0 =	sne.s32 s1, s31  }
.Ltmp3:
0x1f6: {  	_ = 	snop;
	(pc) =	sbr.rel @p0 .LBB2_1-.Ltmp3, $3  }
0x1f7: {  	_ =	sdelay $0x1  }
0x1f8: {  	[sflag:s21] =	ssyncset.done $0x0  }
0x1f9: {  	[sflag:s21] =	ssyncadd.s32 $0xFFFFE000  }
0x1fa: {  	_ =	sfence.sel $0x180000  }
0x1fb: {  	[bflag:$0x0] =	sbarrier.arrive $0xFFFF  }
0x1fc: {  	_ =	strace $0x90000047  }
0x1fd: {  	s0 =	stileid.u32;
	[bflag:$0x2] =	sbarrier.arrive $0xFFFF  }
0x1fe: {  	p0 =	sne.s32 s0, $0x0;
	s0 =	rddreg [dreg:$0x3]  }
0x1ff: {  	s0 =	sadd.s32 @!p0 $0x100000, s0  }
0x200: {  	[sflag:s0] =	ssyncadd.tile.s32 @!p0 $0x1;
	_ =	shalt  }
.Lfunc_end2:
_tile_overlayer_lowered:
.L_overlay_start_2:
0x201: {  	(tag) =	ssettag $0x2  }
0x202: {  	s0 =	rddreg [dreg:$0x0];
	s2 =	stileid.u32  }
0x203: {  	s1 =	rddreg [dreg:$0x1];
	p0 =	sne.s32 s2, $0x0  }
0x204: {  	s3 =	rddreg [dreg:$0x2];
	[bflag:$0x3] =	sbarrier.arrive $0xFFFF;
	s2 =	simm.s32 @!p0 $0x1C05  }
0x205: {  	[timem:s3], [sflag:s2] =	dma.local @!p0 [hbm:s0], s1  }
0x206: {  	s0 =	simm.s32 @!p0 $0x5  }
0x207: {  	_ =	swait.ge @!p0 [sflag:s0], s1  }
0x208: {  	s1 =	ssub.s32 @!p0 $0x0, s1;
	[sflag:s0] =	ssyncset.done @!p0 $0x0  }
0x209: {  	[sflag:s0] =	ssyncadd.s32 @!p0 s1  }
0x20a: {  	[bflag:$0x3] =	sbarrier.arrive $0xFFFF  }
0x20b: {  	_ =	shalt  }

</sc_bundles>
